<compile_context>
chip_gen: v7x
topology: tpu7x:2x2x1
jax: 0.10.2.dev20260603
libtpu: 0.0.44.dev20260713+nightly
codegen_flags: <defaults>
</compile_context>

<pallas_src>
import functools

import jax
import jax.numpy as jnp
from jax import lax
from jax.experimental import pallas as pl
from jax.experimental.pallas import tpu as pltpu
from jax.experimental.pallas import tpu_sc as plsc

_N = 10000
_M = 2500
_E = 320000
_D = 128

_MP = 2560
_NP = 10240

_NC = 2
_NS = 16
_NW = _NC * _NS
_EPW = _E // _NW
_C = 80
_K = _EPW // _C



def _proj_body(vf_ref, dv2_ref, w1_ref, b1_ref, out_ref):
    wh = jnp.dot(vf_ref[...], w1_ref[...],
                 preferred_element_type=jnp.float32) + b1_ref[...]
    out_ref[...] = dv2_ref[...] * wh


def _proj(vfeat, dv2_col, w1, b1_row):
    blk = 1000
    grid = _N // blk
    return pl.pallas_call(
        _proj_body,
        grid=(grid,),
        in_specs=[
            pl.BlockSpec((blk, _D), lambda i: (i, 0)),
            pl.BlockSpec((blk, 1), lambda i: (i, 0)),
            pl.BlockSpec((_D, _D), lambda i: (0, 0)),
            pl.BlockSpec((1, _D), lambda i: (0, 0)),
        ],
        out_specs=pl.BlockSpec((blk, _D), lambda i: (i, 0)),
        out_shape=jax.ShapeDtypeStruct((_N, _D), jnp.float32),
    )(vfeat, dv2_col, w1, b1_row)


def _comb_body(p_ref, inv_ref, out_ref):
    out_ref[...] = inv_ref[...] * (p_ref[0] + p_ref[1])


def _comb(partials, inv_col):
    rows = partials.shape[1]
    return pl.pallas_call(
        _comb_body,
        out_shape=jax.ShapeDtypeStruct((rows, _D), jnp.float32),
    )(partials, inv_col)


def _final_body(p_ref, dv2_ref, wc_ref, bc_ref, vout_ref, preds_ref):
    a = p_ref[0] + p_ref[1]
    h = jnp.maximum(dv2_ref[...] * a, 0.0)
    vout_ref[...] = h
    logits = jnp.dot(h, wc_ref[...],
                     preferred_element_type=jnp.float32) + bc_ref[...]
    m = jnp.max(logits, axis=-1, keepdims=True)
    e = jnp.exp(logits - m)
    preds_ref[...] = e / jnp.sum(e, axis=-1, keepdims=True)


def _final(partials, dv2_col, wc, bc_row):
    blk = 1000
    grid = _N // blk
    ncls = wc.shape[1]
    return pl.pallas_call(
        _final_body,
        grid=(grid,),
        in_specs=[
            pl.BlockSpec((2, blk, _D), lambda i: (0, i, 0)),
            pl.BlockSpec((blk, 1), lambda i: (i, 0)),
            pl.BlockSpec((_D, ncls), lambda i: (0, 0)),
            pl.BlockSpec((1, ncls), lambda i: (0, 0)),
        ],
        out_specs=[
            pl.BlockSpec((blk, _D), lambda i: (i, 0)),
            pl.BlockSpec((blk, ncls), lambda i: (i, 0)),
        ],
        out_shape=[
            jax.ShapeDtypeStruct((_N, _D), jnp.float32),
            jax.ShapeDtypeStruct((_N, ncls), jnp.float32),
        ],
    )(partials, dv2_col, wc, bc_row)



def _make_stage(table_rows, acc_pad):
    r = acc_pad // _NS
    mesh = plsc.VectorSubcoreMesh(core_axis_name="c", subcore_axis_name="s",
                                  num_cores=_NC, num_subcores=_NS)

    cr = 32
    nck = r // cr
    assert r % cr == 0

    def body(table_hbm, gidx_hbm, sidx_hbm, zeros_hbm, out_hbm,
             gidx_v, sidx_v, rows_v, obuf_v, acc_sh, sem):
        c = lax.axis_index("c")
        s = lax.axis_index("s")
        wid = c * _NS + s
        pltpu.sync_copy(gidx_hbm.at[wid], gidx_v)
        pltpu.sync_copy(sidx_hbm.at[wid], sidx_v)
        pltpu.sync_copy(zeros_hbm.at[pl.ds(0, cr)], obuf_v)

        def zchunk(t, carry):
            pltpu.sync_copy(obuf_v, acc_sh.at[pl.ds(s * r + t * cr, cr)])
            return carry
        lax.fori_loop(0, nck, zchunk, 0)
        plsc.subcore_barrier()

        def chunk(j, carry):
            pltpu.async_copy(table_hbm.at[gidx_v.at[j]], rows_v, sem).wait()
            pltpu.sync_copy(rows_v, acc_sh.at[sidx_v.at[j]], add=True)
            return carry
        lax.fori_loop(0, _K, chunk, 0)

        plsc.subcore_barrier()

        def wchunk(t, carry):
            pltpu.sync_copy(acc_sh.at[pl.ds(s * r + t * cr, cr)], obuf_v)
            pltpu.sync_copy(obuf_v, out_hbm.at[c, pl.ds(s * r + t * cr, cr)])
            return carry
        lax.fori_loop(0, nck, wchunk, 0)

    kern = pl.kernel(
        body,
        out_type=jax.ShapeDtypeStruct((_NC, acc_pad, _D), jnp.float32),
        mesh=mesh,
        scratch_types=[
            pltpu.VMEM((_K, _C), jnp.int32),
            pltpu.VMEM((_K, _C), jnp.int32),
            pltpu.VMEM((_C, _D), jnp.float32),
            pltpu.VMEM((cr, _D), jnp.float32),
            pltpu.VMEM_SHARED((acc_pad, _D), jnp.float32),
            pltpu.SemaphoreType.DMA,
        ],
    )
    return kern


@functools.lru_cache(maxsize=None)
def _get_stage(table_rows, acc_rows):
    return _make_stage(table_rows, acc_rows)


def _stage1(x, gidx, sidx, zeros):
    return _get_stage(_N, _MP)(x, gidx, sidx, zeros)


def _stage2(g, gidx, sidx, zeros):
    return _get_stage(_MP, _NP)(g, gidx, sidx, zeros)



def kernel(vfeat, DV2, invDE, W1, b1, Wc, bc, node_idx, edge_idx,
           first_layer, last_layer):
    nidx = node_idx.astype(jnp.int32).reshape(_NW, _K, _C)
    eidx = edge_idx.astype(jnp.int32).reshape(_NW, _K, _C)
    zeros = jnp.zeros((_N, _D), jnp.float32)
    dv2_col = DV2.reshape(_N, 1)

    inv_col = jnp.zeros((_MP, 1), jnp.float32).at[:_M].set(
        invDE.reshape(_M, 1))

    x = _proj(vfeat, dv2_col, W1, b1.reshape(1, _D))
    p_edge = _stage1(x, nidx, eidx, zeros)
    g = _comb(p_edge, inv_col)
    p_node = _stage2(g, eidx, nidx, zeros)
    vout, preds = _final(p_node, dv2_col, Wc, bc.reshape(1, -1))
    return (vout, preds)

# --- scband reference (transcript-rebuilt; emitter-appended) ---
"""Pipeline reference for scband-hgnn-86998857548376 (READ-ONLY COPY).

The authoritative reference and input builder live on the scoring server;
editing this copy changes nothing except your own understanding.
"""

import jax, jax.numpy as jnp
import numpy as np

N = 10000       # number of 'node' type vertices
M = 2500        # number of 'edge' type vertices (hyperedges)
E = 320000      # number of incidence edges (both 'in' and 'con' etypes)
IN_CH = 128
N_HID = 128
N_CLASS = 40


def setup_inputs(seed: int = 0) -> dict:
    key = jax.random.key(seed)
    ks = jax.random.split(key, 8)
    vfeat = jax.random.normal(ks[0], (N, IN_CH), dtype=jnp.float32)
    DV2 = jax.random.uniform(ks[1], (N,), dtype=jnp.float32)
    invDE = jax.random.uniform(ks[2], (M,), dtype=jnp.float32)
    node_idx = jax.random.randint(ks[3], (E,), 0, N)   # 'in' etype src (node) / 'con' etype dst (node)
    edge_idx = jax.random.randint(ks[4], (E,), 0, M)   # 'in' etype dst (hyperedge) / 'con' etype src (hyperedge)
    W1 = jax.random.normal(ks[5], (IN_CH, N_HID), dtype=jnp.float32) * (1.0 / np.sqrt(IN_CH))
    b1 = jnp.zeros((N_HID,), dtype=jnp.float32)
    Wc = jax.random.normal(ks[6], (N_HID, N_CLASS), dtype=jnp.float32) * (1.0 / np.sqrt(N_HID))
    bc = jnp.zeros((N_CLASS,), dtype=jnp.float32)
    return {
        "vfeat": vfeat, "DV2": DV2, "invDE": invDE,
        "W1": W1, "b1": b1, "Wc": Wc, "bc": bc,
        "node_idx": node_idx, "edge_idx": edge_idx,
        "first_layer": True, "last_layer": True,
    }


def reference(vfeat, DV2, invDE, W1, b1, Wc, bc, node_idx, edge_idx, first_layer, last_layer):
    # v2e linear projection (first layer uses v2e_1layer)
    Wh = vfeat @ W1 + b1
    # Stage 1: update_all over 'in' etype (node -> hyperedge)
    # message: {'Wh': src['Wh'], 'weight': src['weight']=DV2}; reduce: sum(weight * Wh)
    msg1 = DV2[node_idx][:, None] * Wh[node_idx]
    h_edge = jax.ops.segment_sum(msg1, edge_idx, num_segments=M)
    # apply_edges on 'con' etype (hyperedge -> node): weight_mul = src['weight'](invDE) * dst['weight'](DV2)
    weight_mul = invDE[edge_idx] * DV2[node_idx]
    # Stage 2: update_all over 'con' etype: sum(weight_mul * h_edge[src])
    msg2 = weight_mul[:, None] * h_edge[edge_idx]
    h_node = jax.ops.segment_sum(msg2, node_idx, num_segments=N)
    vout = jax.nn.relu(h_node)
    # last_layer=True path: classifier + softmax (dropout skipped)
    preds = jax.nn.softmax(vout @ Wc + bc, axis=-1)
    return (vout, preds)

if __name__ == "__main__":
    import jax
    _d = setup_inputs()
    print(jax.jit(kernel)(*tuple(_d.values())))

</pallas_src>

<mosaic_0001>
#map = affine_map<(d0, d1) -> (0, 0)>
#map1 = affine_map<(d0, d1) -> (0, 0, 0)>
module attributes {stable_mosaic.version = 14 : i64} {
  func.func @body(%arg0: i32, %arg1: i32, %arg2: memref<10000x128xf32, #tpu.memory_space<hbm>>, %arg3: memref<32x125x80xi32, #tpu.memory_space<hbm>>, %arg4: memref<32x125x80xi32, #tpu.memory_space<hbm>>, %arg5: memref<10000x128xf32, #tpu.memory_space<hbm>>, %arg6: memref<2x2560x128xf32, #tpu.memory_space<hbm>>, %arg7: memref<125x80xi32, #tpu.memory_space<vmem>>, %arg8: memref<125x80xi32, #tpu.memory_space<vmem>>, %arg9: memref<80x128xf32, #tpu.memory_space<vmem>>, %arg10: memref<32x128xf32, #tpu.memory_space<vmem>>, %arg11: memref<2560x128xf32, #tpu.memory_space<vmem_shared>>, %arg12: memref<!tpu.dma_semaphore, #tpu.memory_space<semaphore_mem>>) attributes {dimension_semantics = [#tpu.dimension_semantics<core_parallel>, #tpu.dimension_semantics<subcore_parallel>], iteration_bounds = array<i64: 2, 16>, scalar_prefetch = 0 : i64, scratch_operands = 6 : i64, tpu.core_type = #tpu.core_type<sc_vector_subcore>, window_params = [{transform_indices = #map}, {transform_indices = #map1}, {transform_indices = #map1}, {transform_indices = #map}, {transform_indices = #map1}]} {
    %mul3A = arith.constant 16 : i32
    %mul3A_0 = arith.muli %arg0, %mul3A : i32
    %add3A = arith.addi %mul3A_0, %arg1 : i32
    "tpu.region"() ({
      %run_scoped3A = tpu.sem_alloc : memref<!tpu.dma_semaphore, #tpu.memory_space<semaphore_mem>>
      %dma_start3A = arith.constant 0 : i32
      %dma_start3A_19 = arith.constant 0 : i32
      %dma_start3A_20 = tpu.memref_slice %arg3[%add3A, %dma_start3A, %dma_start3A_19] : memref<32x125x80xi32, #tpu.memory_space<hbm>> -> memref<1x125x80xi32, #tpu.memory_space<hbm>>
      %dma_start3A_21 = tpu.memref_squeeze %dma_start3A_20 : memref<1x125x80xi32, #tpu.memory_space<hbm>> -> memref<125x80xi32, #tpu.memory_space<hbm>>
      %dma_start3A_22 = arith.constant 0 : i32
      %dma_start3A_23 = arith.constant 0 : i32
      %dma_start3A_24 = tpu.memref_slice %arg3[%add3A, %dma_start3A_22, %dma_start3A_23] : memref<32x125x80xi32, #tpu.memory_space<hbm>> -> memref<1x125x80xi32, #tpu.memory_space<hbm>>
      %dma_start3A_25 = tpu.memref_squeeze %dma_start3A_24 : memref<1x125x80xi32, #tpu.memory_space<hbm>> -> memref<125x80xi32, #tpu.memory_space<hbm>>
      tpu.enqueue_dma source(%dma_start3A_25 : memref<125x80xi32, #tpu.memory_space<hbm>>) target(%arg7 : memref<125x80xi32, #tpu.memory_space<vmem>>) target_semaphore(%run_scoped3A : memref<!tpu.dma_semaphore, #tpu.memory_space<semaphore_mem>>)
      %dma_wait3A = arith.constant 0 : i32
      %dma_wait3A_26 = arith.constant 0 : i32
      %dma_wait3A_27 = tpu.memref_slice %arg3[%add3A, %dma_wait3A, %dma_wait3A_26] : memref<32x125x80xi32, #tpu.memory_space<hbm>> -> memref<1x125x80xi32, #tpu.memory_space<hbm>>
      %dma_wait3A_28 = tpu.memref_squeeze %dma_wait3A_27 : memref<1x125x80xi32, #tpu.memory_space<hbm>> -> memref<125x80xi32, #tpu.memory_space<hbm>>
      %dma_wait3A_29 = arith.constant 0 : i32
      %dma_wait3A_30 = arith.constant 0 : i32
      %dma_wait3A_31 = tpu.memref_slice %arg3[%add3A, %dma_wait3A_29, %dma_wait3A_30] : memref<32x125x80xi32, #tpu.memory_space<hbm>> -> memref<1x125x80xi32, #tpu.memory_space<hbm>>
      %dma_wait3A_32 = tpu.memref_squeeze %dma_wait3A_31 : memref<1x125x80xi32, #tpu.memory_space<hbm>> -> memref<125x80xi32, #tpu.memory_space<hbm>>
      tpu.wait_dma2 semaphore(%run_scoped3A : memref<!tpu.dma_semaphore, #tpu.memory_space<semaphore_mem>>) src(%dma_wait3A_32 : memref<125x80xi32, #tpu.memory_space<hbm>>) dst(%arg7 : memref<125x80xi32, #tpu.memory_space<vmem>>)
      tpu.yield
    }) : () -> ()
    "tpu.region"() ({
      %run_scoped3A = tpu.sem_alloc : memref<!tpu.dma_semaphore, #tpu.memory_space<semaphore_mem>>
      %dma_start3A = arith.constant 0 : i32
      %dma_start3A_19 = arith.constant 0 : i32
      %dma_start3A_20 = tpu.memref_slice %arg4[%add3A, %dma_start3A, %dma_start3A_19] : memref<32x125x80xi32, #tpu.memory_space<hbm>> -> memref<1x125x80xi32, #tpu.memory_space<hbm>>
      %dma_start3A_21 = tpu.memref_squeeze %dma_start3A_20 : memref<1x125x80xi32, #tpu.memory_space<hbm>> -> memref<125x80xi32, #tpu.memory_space<hbm>>
      %dma_start3A_22 = arith.constant 0 : i32
      %dma_start3A_23 = arith.constant 0 : i32
      %dma_start3A_24 = tpu.memref_slice %arg4[%add3A, %dma_start3A_22, %dma_start3A_23] : memref<32x125x80xi32, #tpu.memory_space<hbm>> -> memref<1x125x80xi32, #tpu.memory_space<hbm>>
      %dma_start3A_25 = tpu.memref_squeeze %dma_start3A_24 : memref<1x125x80xi32, #tpu.memory_space<hbm>> -> memref<125x80xi32, #tpu.memory_space<hbm>>
      tpu.enqueue_dma source(%dma_start3A_25 : memref<125x80xi32, #tpu.memory_space<hbm>>) target(%arg8 : memref<125x80xi32, #tpu.memory_space<vmem>>) target_semaphore(%run_scoped3A : memref<!tpu.dma_semaphore, #tpu.memory_space<semaphore_mem>>)
      %dma_wait3A = arith.constant 0 : i32
      %dma_wait3A_26 = arith.constant 0 : i32
      %dma_wait3A_27 = tpu.memref_slice %arg4[%add3A, %dma_wait3A, %dma_wait3A_26] : memref<32x125x80xi32, #tpu.memory_space<hbm>> -> memref<1x125x80xi32, #tpu.memory_space<hbm>>
      %dma_wait3A_28 = tpu.memref_squeeze %dma_wait3A_27 : memref<1x125x80xi32, #tpu.memory_space<hbm>> -> memref<125x80xi32, #tpu.memory_space<hbm>>
      %dma_wait3A_29 = arith.constant 0 : i32
      %dma_wait3A_30 = arith.constant 0 : i32
      %dma_wait3A_31 = tpu.memref_slice %arg4[%add3A, %dma_wait3A_29, %dma_wait3A_30] : memref<32x125x80xi32, #tpu.memory_space<hbm>> -> memref<1x125x80xi32, #tpu.memory_space<hbm>>
      %dma_wait3A_32 = tpu.memref_squeeze %dma_wait3A_31 : memref<1x125x80xi32, #tpu.memory_space<hbm>> -> memref<125x80xi32, #tpu.memory_space<hbm>>
      tpu.wait_dma2 semaphore(%run_scoped3A : memref<!tpu.dma_semaphore, #tpu.memory_space<semaphore_mem>>) src(%dma_wait3A_32 : memref<125x80xi32, #tpu.memory_space<hbm>>) dst(%arg8 : memref<125x80xi32, #tpu.memory_space<vmem>>)
      tpu.yield
    }) : () -> ()
    "tpu.region"() ({
      %run_scoped3A = tpu.sem_alloc : memref<!tpu.dma_semaphore, #tpu.memory_space<semaphore_mem>>
      %dma_start3A = arith.constant 0 : i32
      %dma_start3A_19 = arith.constant 0 : i32
      %dma_start3A_20 = tpu.memref_slice %arg5[%dma_start3A, %dma_start3A_19] : memref<10000x128xf32, #tpu.memory_space<hbm>> -> memref<32x128xf32, #tpu.memory_space<hbm>>
      %dma_start3A_21 = arith.constant 0 : i32
      %dma_start3A_22 = arith.constant 0 : i32
      %dma_start3A_23 = tpu.memref_slice %arg5[%dma_start3A_21, %dma_start3A_22] : memref<10000x128xf32, #tpu.memory_space<hbm>> -> memref<32x128xf32, #tpu.memory_space<hbm>>
      tpu.enqueue_dma source(%dma_start3A_23 : memref<32x128xf32, #tpu.memory_space<hbm>>) target(%arg10 : memref<32x128xf32, #tpu.memory_space<vmem>>) target_semaphore(%run_scoped3A : memref<!tpu.dma_semaphore, #tpu.memory_space<semaphore_mem>>)
      %dma_wait3A = arith.constant 0 : i32
      %dma_wait3A_24 = arith.constant 0 : i32
      %dma_wait3A_25 = tpu.memref_slice %arg5[%dma_wait3A, %dma_wait3A_24] : memref<10000x128xf32, #tpu.memory_space<hbm>> -> memref<32x128xf32, #tpu.memory_space<hbm>>
      %dma_wait3A_26 = arith.constant 0 : i32
      %dma_wait3A_27 = arith.constant 0 : i32
      %dma_wait3A_28 = tpu.memref_slice %arg5[%dma_wait3A_26, %dma_wait3A_27] : memref<10000x128xf32, #tpu.memory_space<hbm>> -> memref<32x128xf32, #tpu.memory_space<hbm>>
      tpu.wait_dma2 semaphore(%run_scoped3A : memref<!tpu.dma_semaphore, #tpu.memory_space<semaphore_mem>>) src(%dma_wait3A_28 : memref<32x128xf32, #tpu.memory_space<hbm>>) dst(%arg10 : memref<32x128xf32, #tpu.memory_space<vmem>>)
      tpu.yield
    }) : () -> ()
    %scan3A = arith.constant 0 : i32
    %scan3A_1 = arith.constant 0 : i32
    %scan3A_2 = arith.constant 5 : i32
    %scan3A_3 = arith.addi %scan3A_1, %scan3A_2 : i32
    %scan3A_4 = arith.constant 1 : i32
    scf.for %scan3A_19 = %scan3A_1 to %scan3A_3 step %scan3A_4  : i32 {
      %mul3A_20 = arith.constant 160 : i32
      %mul3A_21 = arith.muli %arg1, %mul3A_20 : i32
      %mul3A_22 = arith.constant 32 : i32
      %mul3A_23 = arith.muli %scan3A_19, %mul3A_22 : i32
      %add3A_24 = arith.addi %mul3A_21, %mul3A_23 : i32
      "tpu.region"() ({
        %run_scoped3A = tpu.sem_alloc : memref<!tpu.dma_semaphore, #tpu.memory_space<semaphore_mem>>
        %dma_start3A = arith.constant 0 : i32
        %dma_start3A_25 = tpu.memref_slice %arg11[%add3A_24, %dma_start3A] : memref<2560x128xf32, #tpu.memory_space<vmem_shared>> -> memref<32x128xf32, #tpu.memory_space<vmem_shared>>
        %dma_start3A_26 = arith.constant 0 : i32
        %dma_start3A_27 = tpu.memref_slice %arg11[%add3A_24, %dma_start3A_26] : memref<2560x128xf32, #tpu.memory_space<vmem_shared>> -> memref<32x128xf32, #tpu.memory_space<vmem_shared>>
        tpu.enqueue_dma source(%arg10 : memref<32x128xf32, #tpu.memory_space<vmem>>) target(%dma_start3A_27 : memref<32x128xf32, #tpu.memory_space<vmem_shared>>) target_semaphore(%run_scoped3A : memref<!tpu.dma_semaphore, #tpu.memory_space<semaphore_mem>>)
        %dma_wait3A = arith.constant 0 : i32
        %dma_wait3A_28 = tpu.memref_slice %arg11[%add3A_24, %dma_wait3A] : memref<2560x128xf32, #tpu.memory_space<vmem_shared>> -> memref<32x128xf32, #tpu.memory_space<vmem_shared>>
        %dma_wait3A_29 = arith.constant 0 : i32
        %dma_wait3A_30 = tpu.memref_slice %arg11[%add3A_24, %dma_wait3A_29] : memref<2560x128xf32, #tpu.memory_space<vmem_shared>> -> memref<32x128xf32, #tpu.memory_space<vmem_shared>>
        tpu.wait_dma2 semaphore(%run_scoped3A : memref<!tpu.dma_semaphore, #tpu.memory_space<semaphore_mem>>) src(%arg10 : memref<32x128xf32, #tpu.memory_space<vmem>>) dst(%dma_wait3A_30 : memref<32x128xf32, #tpu.memory_space<vmem_shared>>)
        tpu.yield
      }) : () -> ()
    }
    %scan3A_5 = arith.constant 5 : i32
    %barrier3A = arith.constant 0 : index
    tpu.barrier barrier_id(%barrier3A)
    %scan3A_6 = arith.constant 0 : i32
    %scan3A_7 = arith.constant 0 : i32
    %scan3A_8 = arith.constant 125 : i32
    %scan3A_9 = arith.addi %scan3A_7, %scan3A_8 : i32
    %scan3A_10 = arith.constant 1 : i32
    scf.for %scan3A_19 = %scan3A_7 to %scan3A_9 step %scan3A_10  : i32 {
      %dma_start3A = arith.constant 0 : i32
      %dma_start3A_20 = tpu.memref_slice %arg7[%scan3A_19, %dma_start3A] : memref<125x80xi32, #tpu.memory_space<vmem>> -> memref<1x80xi32, #tpu.memory_space<vmem>>
      %dma_start3A_21 = tpu.memref_squeeze %dma_start3A_20 : memref<1x80xi32, #tpu.memory_space<vmem>> -> memref<80xi32, #tpu.memory_space<vmem>>
      %dma_start3A_22 = arith.constant 0 : i32
      %dma_start3A_23 = arith.constant 0 : i32
      %dma_start3A_24 = tpu.memref_slice %arg2[%dma_start3A_22, %dma_start3A_23] : memref<10000x128xf32, #tpu.memory_space<hbm>> -> memref<10000x128xf32, #tpu.memory_space<hbm>>
      tpu.enqueue_indirect_dma source(%dma_start3A_24 : memref<10000x128xf32, #tpu.memory_space<hbm>>) target(%arg9 : memref<80x128xf32, #tpu.memory_space<vmem>>) offsets(%dma_start3A_21 : memref<80xi32, #tpu.memory_space<vmem>>) semaphore(%arg12 : memref<!tpu.dma_semaphore, #tpu.memory_space<semaphore_mem>>)
      %dma_wait3A = arith.constant 0 : i32
      %dma_wait3A_25 = tpu.memref_slice %arg7[%scan3A_19, %dma_wait3A] : memref<125x80xi32, #tpu.memory_space<vmem>> -> memref<1x80xi32, #tpu.memory_space<vmem>>
      %dma_wait3A_26 = tpu.memref_squeeze %dma_wait3A_25 : memref<1x80xi32, #tpu.memory_space<vmem>> -> memref<80xi32, #tpu.memory_space<vmem>>
      %dma_wait3A_27 = arith.constant 0 : i32
      %dma_wait3A_28 = arith.constant 0 : i32
      %dma_wait3A_29 = tpu.memref_slice %arg2[%dma_wait3A_27, %dma_wait3A_28] : memref<10000x128xf32, #tpu.memory_space<hbm>> -> memref<10000x128xf32, #tpu.memory_space<hbm>>
      tpu.wait_indirect_dma semaphore(%arg12 : memref<!tpu.dma_semaphore, #tpu.memory_space<semaphore_mem>>) src(%dma_wait3A_29 : memref<10000x128xf32, #tpu.memory_space<hbm>>) dst(%arg9 : memref<80x128xf32, #tpu.memory_space<vmem>>)
      "tpu.region"() ({
        %run_scoped3A = tpu.sem_alloc : memref<!tpu.dma_semaphore, #tpu.memory_space<semaphore_mem>>
        %dma_start3A_30 = arith.constant 0 : i32
        %dma_start3A_31 = tpu.memref_slice %arg8[%scan3A_19, %dma_start3A_30] : memref<125x80xi32, #tpu.memory_space<vmem>> -> memref<1x80xi32, #tpu.memory_space<vmem>>
        %dma_start3A_32 = tpu.memref_squeeze %dma_start3A_31 : memref<1x80xi32, #tpu.memory_space<vmem>> -> memref<80xi32, #tpu.memory_space<vmem>>
        %dma_start3A_33 = arith.constant 0 : i32
        %dma_start3A_34 = arith.constant 0 : i32
        %dma_start3A_35 = tpu.memref_slice %arg11[%dma_start3A_33, %dma_start3A_34] : memref<2560x128xf32, #tpu.memory_space<vmem_shared>> -> memref<2560x128xf32, #tpu.memory_space<vmem_shared>>
        tpu.enqueue_indirect_dma source(%arg9 : memref<80x128xf32, #tpu.memory_space<vmem>>) target(%dma_start3A_35 : memref<2560x128xf32, #tpu.memory_space<vmem_shared>>) offsets(%dma_start3A_32 : memref<80xi32, #tpu.memory_space<vmem>>) semaphore(%run_scoped3A : memref<!tpu.dma_semaphore, #tpu.memory_space<semaphore_mem>>) {add = true}
        %dma_wait3A_36 = arith.constant 0 : i32
        %dma_wait3A_37 = tpu.memref_slice %arg8[%scan3A_19, %dma_wait3A_36] : memref<125x80xi32, #tpu.memory_space<vmem>> -> memref<1x80xi32, #tpu.memory_space<vmem>>
        %dma_wait3A_38 = tpu.memref_squeeze %dma_wait3A_37 : memref<1x80xi32, #tpu.memory_space<vmem>> -> memref<80xi32, #tpu.memory_space<vmem>>
        %dma_wait3A_39 = arith.constant 0 : i32
        %dma_wait3A_40 = arith.constant 0 : i32
        %dma_wait3A_41 = tpu.memref_slice %arg11[%dma_wait3A_39, %dma_wait3A_40] : memref<2560x128xf32, #tpu.memory_space<vmem_shared>> -> memref<2560x128xf32, #tpu.memory_space<vmem_shared>>
        tpu.wait_indirect_dma semaphore(%run_scoped3A : memref<!tpu.dma_semaphore, #tpu.memory_space<semaphore_mem>>) src(%arg9 : memref<80x128xf32, #tpu.memory_space<vmem>>) dst(%dma_wait3A_41 : memref<2560x128xf32, #tpu.memory_space<vmem_shared>>)
        tpu.yield
      }) : () -> ()
    }
    %scan3A_11 = arith.constant 125 : i32
    %barrier3A_12 = arith.constant 0 : index
    tpu.barrier barrier_id(%barrier3A_12)
    %scan3A_13 = arith.constant 0 : i32
    %scan3A_14 = arith.constant 0 : i32
    %scan3A_15 = arith.constant 5 : i32
    %scan3A_16 = arith.addi %scan3A_14, %scan3A_15 : i32
    %scan3A_17 = arith.constant 1 : i32
    scf.for %scan3A_19 = %scan3A_14 to %scan3A_16 step %scan3A_17  : i32 {
      %mul3A_20 = arith.constant 160 : i32
      %mul3A_21 = arith.muli %arg1, %mul3A_20 : i32
      %mul3A_22 = arith.constant 32 : i32
      %mul3A_23 = arith.muli %scan3A_19, %mul3A_22 : i32
      %add3A_24 = arith.addi %mul3A_21, %mul3A_23 : i32
      "tpu.region"() ({
        %run_scoped3A = tpu.sem_alloc : memref<!tpu.dma_semaphore, #tpu.memory_space<semaphore_mem>>
        %dma_start3A = arith.constant 0 : i32
        %dma_start3A_30 = tpu.memref_slice %arg11[%add3A_24, %dma_start3A] : memref<2560x128xf32, #tpu.memory_space<vmem_shared>> -> memref<32x128xf32, #tpu.memory_space<vmem_shared>>
        %dma_start3A_31 = arith.constant 0 : i32
        %dma_start3A_32 = tpu.memref_slice %arg11[%add3A_24, %dma_start3A_31] : memref<2560x128xf32, #tpu.memory_space<vmem_shared>> -> memref<32x128xf32, #tpu.memory_space<vmem_shared>>
        tpu.enqueue_dma source(%dma_start3A_32 : memref<32x128xf32, #tpu.memory_space<vmem_shared>>) target(%arg10 : memref<32x128xf32, #tpu.memory_space<vmem>>) target_semaphore(%run_scoped3A : memref<!tpu.dma_semaphore, #tpu.memory_space<semaphore_mem>>)
        %dma_wait3A = arith.constant 0 : i32
        %dma_wait3A_33 = tpu.memref_slice %arg11[%add3A_24, %dma_wait3A] : memref<2560x128xf32, #tpu.memory_space<vmem_shared>> -> memref<32x128xf32, #tpu.memory_space<vmem_shared>>
        %dma_wait3A_34 = arith.constant 0 : i32
        %dma_wait3A_35 = tpu.memref_slice %arg11[%add3A_24, %dma_wait3A_34] : memref<2560x128xf32, #tpu.memory_space<vmem_shared>> -> memref<32x128xf32, #tpu.memory_space<vmem_shared>>
        tpu.wait_dma2 semaphore(%run_scoped3A : memref<!tpu.dma_semaphore, #tpu.memory_space<semaphore_mem>>) src(%dma_wait3A_35 : memref<32x128xf32, #tpu.memory_space<vmem_shared>>) dst(%arg10 : memref<32x128xf32, #tpu.memory_space<vmem>>)
        tpu.yield
      }) : () -> ()
      %mul3A_25 = arith.constant 160 : i32
      %mul3A_26 = arith.muli %arg1, %mul3A_25 : i32
      %mul3A_27 = arith.constant 32 : i32
      %mul3A_28 = arith.muli %scan3A_19, %mul3A_27 : i32
      %add3A_29 = arith.addi %mul3A_26, %mul3A_28 : i32
      "tpu.region"() ({
        %run_scoped3A = tpu.sem_alloc : memref<!tpu.dma_semaphore, #tpu.memory_space<semaphore_mem>>
        %dma_start3A = arith.constant 0 : i32
        %dma_start3A_30 = tpu.memref_slice %arg6[%arg0, %add3A_29, %dma_start3A] : memref<2x2560x128xf32, #tpu.memory_space<hbm>> -> memref<1x32x128xf32, #tpu.memory_space<hbm>>
        %dma_start3A_31 = tpu.memref_squeeze %dma_start3A_30 : memref<1x32x128xf32, #tpu.memory_space<hbm>> -> memref<32x128xf32, #tpu.memory_space<hbm>>
        %dma_start3A_32 = arith.constant 0 : i32
        %dma_start3A_33 = tpu.memref_slice %arg6[%arg0, %add3A_29, %dma_start3A_32] : memref<2x2560x128xf32, #tpu.memory_space<hbm>> -> memref<1x32x128xf32, #tpu.memory_space<hbm>>
        %dma_start3A_34 = tpu.memref_squeeze %dma_start3A_33 : memref<1x32x128xf32, #tpu.memory_space<hbm>> -> memref<32x128xf32, #tpu.memory_space<hbm>>
        tpu.enqueue_dma source(%arg10 : memref<32x128xf32, #tpu.memory_space<vmem>>) target(%dma_start3A_34 : memref<32x128xf32, #tpu.memory_space<hbm>>) target_semaphore(%run_scoped3A : memref<!tpu.dma_semaphore, #tpu.memory_space<semaphore_mem>>)
        %dma_wait3A = arith.constant 0 : i32
        %dma_wait3A_35 = tpu.memref_slice %arg6[%arg0, %add3A_29, %dma_wait3A] : memref<2x2560x128xf32, #tpu.memory_space<hbm>> -> memref<1x32x128xf32, #tpu.memory_space<hbm>>
        %dma_wait3A_36 = tpu.memref_squeeze %dma_wait3A_35 : memref<1x32x128xf32, #tpu.memory_space<hbm>> -> memref<32x128xf32, #tpu.memory_space<hbm>>
        %dma_wait3A_37 = arith.constant 0 : i32
        %dma_wait3A_38 = tpu.memref_slice %arg6[%arg0, %add3A_29, %dma_wait3A_37] : memref<2x2560x128xf32, #tpu.memory_space<hbm>> -> memref<1x32x128xf32, #tpu.memory_space<hbm>>
        %dma_wait3A_39 = tpu.memref_squeeze %dma_wait3A_38 : memref<1x32x128xf32, #tpu.memory_space<hbm>> -> memref<32x128xf32, #tpu.memory_space<hbm>>
        tpu.wait_dma2 semaphore(%run_scoped3A : memref<!tpu.dma_semaphore, #tpu.memory_space<semaphore_mem>>) src(%arg10 : memref<32x128xf32, #tpu.memory_space<vmem>>) dst(%dma_wait3A_39 : memref<32x128xf32, #tpu.memory_space<hbm>>)
        tpu.yield
      }) : () -> ()
    }
    %scan3A_18 = arith.constant 5 : i32
    return
  }
}

#map = affine_map<(d0, d1) -> (0, 0)>
#map1 = affine_map<(d0, d1) -> (0, 0, 0)>
module attributes {stable_mosaic.version = 14 : i64} {
  func.func @body(%arg0: i32, %arg1: i32, %arg2: memref<2560x128xf32, #tpu.memory_space<hbm>>, %arg3: memref<32x125x80xi32, #tpu.memory_space<hbm>>, %arg4: memref<32x125x80xi32, #tpu.memory_space<hbm>>, %arg5: memref<10000x128xf32, #tpu.memory_space<hbm>>, %arg6: memref<2x10240x128xf32, #tpu.memory_space<hbm>>, %arg7: memref<125x80xi32, #tpu.memory_space<vmem>>, %arg8: memref<125x80xi32, #tpu.memory_space<vmem>>, %arg9: memref<80x128xf32, #tpu.memory_space<vmem>>, %arg10: memref<32x128xf32, #tpu.memory_space<vmem>>, %arg11: memref<10240x128xf32, #tpu.memory_space<vmem_shared>>, %arg12: memref<!tpu.dma_semaphore, #tpu.memory_space<semaphore_mem>>) attributes {dimension_semantics = [#tpu.dimension_semantics<core_parallel>, #tpu.dimension_semantics<subcore_parallel>], iteration_bounds = array<i64: 2, 16>, scalar_prefetch = 0 : i64, scratch_operands = 6 : i64, tpu.core_type = #tpu.core_type<sc_vector_subcore>, window_params = [{transform_indices = #map}, {transform_indices = #map1}, {transform_indices = #map1}, {transform_indices = #map}, {transform_indices = #map1}]} {
    %mul3A = arith.constant 16 : i32
    %mul3A_0 = arith.muli %arg0, %mul3A : i32
    %add3A = arith.addi %mul3A_0, %arg1 : i32
    "tpu.region"() ({
      %run_scoped3A = tpu.sem_alloc : memref<!tpu.dma_semaphore, #tpu.memory_space<semaphore_mem>>
      %dma_start3A = arith.constant 0 : i32
      %dma_start3A_19 = arith.constant 0 : i32
      %dma_start3A_20 = tpu.memref_slice %arg3[%add3A, %dma_start3A, %dma_start3A_19] : memref<32x125x80xi32, #tpu.memory_space<hbm>> -> memref<1x125x80xi32, #tpu.memory_space<hbm>>
      %dma_start3A_21 = tpu.memref_squeeze %dma_start3A_20 : memref<1x125x80xi32, #tpu.memory_space<hbm>> -> memref<125x80xi32, #tpu.memory_space<hbm>>
      %dma_start3A_22 = arith.constant 0 : i32
      %dma_start3A_23 = arith.constant 0 : i32
      %dma_start3A_24 = tpu.memref_slice %arg3[%add3A, %dma_start3A_22, %dma_start3A_23] : memref<32x125x80xi32, #tpu.memory_space<hbm>> -> memref<1x125x80xi32, #tpu.memory_space<hbm>>
      %dma_start3A_25 = tpu.memref_squeeze %dma_start3A_24 : memref<1x125x80xi32, #tpu.memory_space<hbm>> -> memref<125x80xi32, #tpu.memory_space<hbm>>
      tpu.enqueue_dma source(%dma_start3A_25 : memref<125x80xi32, #tpu.memory_space<hbm>>) target(%arg7 : memref<125x80xi32, #tpu.memory_space<vmem>>) target_semaphore(%run_scoped3A : memref<!tpu.dma_semaphore, #tpu.memory_space<semaphore_mem>>)
      %dma_wait3A = arith.constant 0 : i32
      %dma_wait3A_26 = arith.constant 0 : i32
      %dma_wait3A_27 = tpu.memref_slice %arg3[%add3A, %dma_wait3A, %dma_wait3A_26] : memref<32x125x80xi32, #tpu.memory_space<hbm>> -> memref<1x125x80xi32, #tpu.memory_space<hbm>>
      %dma_wait3A_28 = tpu.memref_squeeze %dma_wait3A_27 : memref<1x125x80xi32, #tpu.memory_space<hbm>> -> memref<125x80xi32, #tpu.memory_space<hbm>>
      %dma_wait3A_29 = arith.constant 0 : i32
      %dma_wait3A_30 = arith.constant 0 : i32
      %dma_wait3A_31 = tpu.memref_slice %arg3[%add3A, %dma_wait3A_29, %dma_wait3A_30] : memref<32x125x80xi32, #tpu.memory_space<hbm>> -> memref<1x125x80xi32, #tpu.memory_space<hbm>>
      %dma_wait3A_32 = tpu.memref_squeeze %dma_wait3A_31 : memref<1x125x80xi32, #tpu.memory_space<hbm>> -> memref<125x80xi32, #tpu.memory_space<hbm>>
      tpu.wait_dma2 semaphore(%run_scoped3A : memref<!tpu.dma_semaphore, #tpu.memory_space<semaphore_mem>>) src(%dma_wait3A_32 : memref<125x80xi32, #tpu.memory_space<hbm>>) dst(%arg7 : memref<125x80xi32, #tpu.memory_space<vmem>>)
      tpu.yield
    }) : () -> ()
    "tpu.region"() ({
      %run_scoped3A = tpu.sem_alloc : memref<!tpu.dma_semaphore, #tpu.memory_space<semaphore_mem>>
      %dma_start3A = arith.constant 0 : i32
      %dma_start3A_19 = arith.constant 0 : i32
      %dma_start3A_20 = tpu.memref_slice %arg4[%add3A, %dma_start3A, %dma_start3A_19] : memref<32x125x80xi32, #tpu.memory_space<hbm>> -> memref<1x125x80xi32, #tpu.memory_space<hbm>>
      %dma_start3A_21 = tpu.memref_squeeze %dma_start3A_20 : memref<1x125x80xi32, #tpu.memory_space<hbm>> -> memref<125x80xi32, #tpu.memory_space<hbm>>
      %dma_start3A_22 = arith.constant 0 : i32
      %dma_start3A_23 = arith.constant 0 : i32
      %dma_start3A_24 = tpu.memref_slice %arg4[%add3A, %dma_start3A_22, %dma_start3A_23] : memref<32x125x80xi32, #tpu.memory_space<hbm>> -> memref<1x125x80xi32, #tpu.memory_space<hbm>>
      %dma_start3A_25 = tpu.memref_squeeze %dma_start3A_24 : memref<1x125x80xi32, #tpu.memory_space<hbm>> -> memref<125x80xi32, #tpu.memory_space<hbm>>
      tpu.enqueue_dma source(%dma_start3A_25 : memref<125x80xi32, #tpu.memory_space<hbm>>) target(%arg8 : memref<125x80xi32, #tpu.memory_space<vmem>>) target_semaphore(%run_scoped3A : memref<!tpu.dma_semaphore, #tpu.memory_space<semaphore_mem>>)
      %dma_wait3A = arith.constant 0 : i32
      %dma_wait3A_26 = arith.constant 0 : i32
      %dma_wait3A_27 = tpu.memref_slice %arg4[%add3A, %dma_wait3A, %dma_wait3A_26] : memref<32x125x80xi32, #tpu.memory_space<hbm>> -> memref<1x125x80xi32, #tpu.memory_space<hbm>>
      %dma_wait3A_28 = tpu.memref_squeeze %dma_wait3A_27 : memref<1x125x80xi32, #tpu.memory_space<hbm>> -> memref<125x80xi32, #tpu.memory_space<hbm>>
      %dma_wait3A_29 = arith.constant 0 : i32
      %dma_wait3A_30 = arith.constant 0 : i32
      %dma_wait3A_31 = tpu.memref_slice %arg4[%add3A, %dma_wait3A_29, %dma_wait3A_30] : memref<32x125x80xi32, #tpu.memory_space<hbm>> -> memref<1x125x80xi32, #tpu.memory_space<hbm>>
      %dma_wait3A_32 = tpu.memref_squeeze %dma_wait3A_31 : memref<1x125x80xi32, #tpu.memory_space<hbm>> -> memref<125x80xi32, #tpu.memory_space<hbm>>
      tpu.wait_dma2 semaphore(%run_scoped3A : memref<!tpu.dma_semaphore, #tpu.memory_space<semaphore_mem>>) src(%dma_wait3A_32 : memref<125x80xi32, #tpu.memory_space<hbm>>) dst(%arg8 : memref<125x80xi32, #tpu.memory_space<vmem>>)
      tpu.yield
    }) : () -> ()
    "tpu.region"() ({
      %run_scoped3A = tpu.sem_alloc : memref<!tpu.dma_semaphore, #tpu.memory_space<semaphore_mem>>
      %dma_start3A = arith.constant 0 : i32
      %dma_start3A_19 = arith.constant 0 : i32
      %dma_start3A_20 = tpu.memref_slice %arg5[%dma_start3A, %dma_start3A_19] : memref<10000x128xf32, #tpu.memory_space<hbm>> -> memref<32x128xf32, #tpu.memory_space<hbm>>
      %dma_start3A_21 = arith.constant 0 : i32
      %dma_start3A_22 = arith.constant 0 : i32
      %dma_start3A_23 = tpu.memref_slice %arg5[%dma_start3A_21, %dma_start3A_22] : memref<10000x128xf32, #tpu.memory_space<hbm>> -> memref<32x128xf32, #tpu.memory_space<hbm>>
      tpu.enqueue_dma source(%dma_start3A_23 : memref<32x128xf32, #tpu.memory_space<hbm>>) target(%arg10 : memref<32x128xf32, #tpu.memory_space<vmem>>) target_semaphore(%run_scoped3A : memref<!tpu.dma_semaphore, #tpu.memory_space<semaphore_mem>>)
      %dma_wait3A = arith.constant 0 : i32
      %dma_wait3A_24 = arith.constant 0 : i32
      %dma_wait3A_25 = tpu.memref_slice %arg5[%dma_wait3A, %dma_wait3A_24] : memref<10000x128xf32, #tpu.memory_space<hbm>> -> memref<32x128xf32, #tpu.memory_space<hbm>>
      %dma_wait3A_26 = arith.constant 0 : i32
      %dma_wait3A_27 = arith.constant 0 : i32
      %dma_wait3A_28 = tpu.memref_slice %arg5[%dma_wait3A_26, %dma_wait3A_27] : memref<10000x128xf32, #tpu.memory_space<hbm>> -> memref<32x128xf32, #tpu.memory_space<hbm>>
      tpu.wait_dma2 semaphore(%run_scoped3A : memref<!tpu.dma_semaphore, #tpu.memory_space<semaphore_mem>>) src(%dma_wait3A_28 : memref<32x128xf32, #tpu.memory_space<hbm>>) dst(%arg10 : memref<32x128xf32, #tpu.memory_space<vmem>>)
      tpu.yield
    }) : () -> ()
    %scan3A = arith.constant 0 : i32
    %scan3A_1 = arith.constant 0 : i32
    %scan3A_2 = arith.constant 20 : i32
    %scan3A_3 = arith.addi %scan3A_1, %scan3A_2 : i32
    %scan3A_4 = arith.constant 1 : i32
    scf.for %scan3A_19 = %scan3A_1 to %scan3A_3 step %scan3A_4  : i32 {
      %mul3A_20 = arith.constant 640 : i32
      %mul3A_21 = arith.muli %arg1, %mul3A_20 : i32
      %mul3A_22 = arith.constant 32 : i32
      %mul3A_23 = arith.muli %scan3A_19, %mul3A_22 : i32
      %add3A_24 = arith.addi %mul3A_21, %mul3A_23 : i32
      "tpu.region"() ({
        %run_scoped3A = tpu.sem_alloc : memref<!tpu.dma_semaphore, #tpu.memory_space<semaphore_mem>>
        %dma_start3A = arith.constant 0 : i32
        %dma_start3A_25 = tpu.memref_slice %arg11[%add3A_24, %dma_start3A] : memref<10240x128xf32, #tpu.memory_space<vmem_shared>> -> memref<32x128xf32, #tpu.memory_space<vmem_shared>>
        %dma_start3A_26 = arith.constant 0 : i32
        %dma_start3A_27 = tpu.memref_slice %arg11[%add3A_24, %dma_start3A_26] : memref<10240x128xf32, #tpu.memory_space<vmem_shared>> -> memref<32x128xf32, #tpu.memory_space<vmem_shared>>
        tpu.enqueue_dma source(%arg10 : memref<32x128xf32, #tpu.memory_space<vmem>>) target(%dma_start3A_27 : memref<32x128xf32, #tpu.memory_space<vmem_shared>>) target_semaphore(%run_scoped3A : memref<!tpu.dma_semaphore, #tpu.memory_space<semaphore_mem>>)
        %dma_wait3A = arith.constant 0 : i32
        %dma_wait3A_28 = tpu.memref_slice %arg11[%add3A_24, %dma_wait3A] : memref<10240x128xf32, #tpu.memory_space<vmem_shared>> -> memref<32x128xf32, #tpu.memory_space<vmem_shared>>
        %dma_wait3A_29 = arith.constant 0 : i32
        %dma_wait3A_30 = tpu.memref_slice %arg11[%add3A_24, %dma_wait3A_29] : memref<10240x128xf32, #tpu.memory_space<vmem_shared>> -> memref<32x128xf32, #tpu.memory_space<vmem_shared>>
        tpu.wait_dma2 semaphore(%run_scoped3A : memref<!tpu.dma_semaphore, #tpu.memory_space<semaphore_mem>>) src(%arg10 : memref<32x128xf32, #tpu.memory_space<vmem>>) dst(%dma_wait3A_30 : memref<32x128xf32, #tpu.memory_space<vmem_shared>>)
        tpu.yield
      }) : () -> ()
    }
    %scan3A_5 = arith.constant 20 : i32
    %barrier3A = arith.constant 0 : index
    tpu.barrier barrier_id(%barrier3A)
    %scan3A_6 = arith.constant 0 : i32
    %scan3A_7 = arith.constant 0 : i32
    %scan3A_8 = arith.constant 125 : i32
    %scan3A_9 = arith.addi %scan3A_7, %scan3A_8 : i32
    %scan3A_10 = arith.constant 1 : i32
    scf.for %scan3A_19 = %scan3A_7 to %scan3A_9 step %scan3A_10  : i32 {
      %dma_start3A = arith.constant 0 : i32
      %dma_start3A_20 = tpu.memref_slice %arg7[%scan3A_19, %dma_start3A] : memref<125x80xi32, #tpu.memory_space<vmem>> -> memref<1x80xi32, #tpu.memory_space<vmem>>
      %dma_start3A_21 = tpu.memref_squeeze %dma_start3A_20 : memref<1x80xi32, #tpu.memory_space<vmem>> -> memref<80xi32, #tpu.memory_space<vmem>>
      %dma_start3A_22 = arith.constant 0 : i32
      %dma_start3A_23 = arith.constant 0 : i32
      %dma_start3A_24 = tpu.memref_slice %arg2[%dma_start3A_22, %dma_start3A_23] : memref<2560x128xf32, #tpu.memory_space<hbm>> -> memref<2560x128xf32, #tpu.memory_space<hbm>>
      tpu.enqueue_indirect_dma source(%dma_start3A_24 : memref<2560x128xf32, #tpu.memory_space<hbm>>) target(%arg9 : memref<80x128xf32, #tpu.memory_space<vmem>>) offsets(%dma_start3A_21 : memref<80xi32, #tpu.memory_space<vmem>>) semaphore(%arg12 : memref<!tpu.dma_semaphore, #tpu.memory_space<semaphore_mem>>)
      %dma_wait3A = arith.constant 0 : i32
      %dma_wait3A_25 = tpu.memref_slice %arg7[%scan3A_19, %dma_wait3A] : memref<125x80xi32, #tpu.memory_space<vmem>> -> memref<1x80xi32, #tpu.memory_space<vmem>>
      %dma_wait3A_26 = tpu.memref_squeeze %dma_wait3A_25 : memref<1x80xi32, #tpu.memory_space<vmem>> -> memref<80xi32, #tpu.memory_space<vmem>>
      %dma_wait3A_27 = arith.constant 0 : i32
      %dma_wait3A_28 = arith.constant 0 : i32
      %dma_wait3A_29 = tpu.memref_slice %arg2[%dma_wait3A_27, %dma_wait3A_28] : memref<2560x128xf32, #tpu.memory_space<hbm>> -> memref<2560x128xf32, #tpu.memory_space<hbm>>
      tpu.wait_indirect_dma semaphore(%arg12 : memref<!tpu.dma_semaphore, #tpu.memory_space<semaphore_mem>>) src(%dma_wait3A_29 : memref<2560x128xf32, #tpu.memory_space<hbm>>) dst(%arg9 : memref<80x128xf32, #tpu.memory_space<vmem>>)
      "tpu.region"() ({
        %run_scoped3A = tpu.sem_alloc : memref<!tpu.dma_semaphore, #tpu.memory_space<semaphore_mem>>
        %dma_start3A_30 = arith.constant 0 : i32
        %dma_start3A_31 = tpu.memref_slice %arg8[%scan3A_19, %dma_start3A_30] : memref<125x80xi32, #tpu.memory_space<vmem>> -> memref<1x80xi32, #tpu.memory_space<vmem>>
        %dma_start3A_32 = tpu.memref_squeeze %dma_start3A_31 : memref<1x80xi32, #tpu.memory_space<vmem>> -> memref<80xi32, #tpu.memory_space<vmem>>
        %dma_start3A_33 = arith.constant 0 : i32
        %dma_start3A_34 = arith.constant 0 : i32
        %dma_start3A_35 = tpu.memref_slice %arg11[%dma_start3A_33, %dma_start3A_34] : memref<10240x128xf32, #tpu.memory_space<vmem_shared>> -> memref<10240x128xf32, #tpu.memory_space<vmem_shared>>
        tpu.enqueue_indirect_dma source(%arg9 : memref<80x128xf32, #tpu.memory_space<vmem>>) target(%dma_start3A_35 : memref<10240x128xf32, #tpu.memory_space<vmem_shared>>) offsets(%dma_start3A_32 : memref<80xi32, #tpu.memory_space<vmem>>) semaphore(%run_scoped3A : memref<!tpu.dma_semaphore, #tpu.memory_space<semaphore_mem>>) {add = true}
        %dma_wait3A_36 = arith.constant 0 : i32
        %dma_wait3A_37 = tpu.memref_slice %arg8[%scan3A_19, %dma_wait3A_36] : memref<125x80xi32, #tpu.memory_space<vmem>> -> memref<1x80xi32, #tpu.memory_space<vmem>>
        %dma_wait3A_38 = tpu.memref_squeeze %dma_wait3A_37 : memref<1x80xi32, #tpu.memory_space<vmem>> -> memref<80xi32, #tpu.memory_space<vmem>>
        %dma_wait3A_39 = arith.constant 0 : i32
        %dma_wait3A_40 = arith.constant 0 : i32
        %dma_wait3A_41 = tpu.memref_slice %arg11[%dma_wait3A_39, %dma_wait3A_40] : memref<10240x128xf32, #tpu.memory_space<vmem_shared>> -> memref<10240x128xf32, #tpu.memory_space<vmem_shared>>
        tpu.wait_indirect_dma semaphore(%run_scoped3A : memref<!tpu.dma_semaphore, #tpu.memory_space<semaphore_mem>>) src(%arg9 : memref<80x128xf32, #tpu.memory_space<vmem>>) dst(%dma_wait3A_41 : memref<10240x128xf32, #tpu.memory_space<vmem_shared>>)
        tpu.yield
      }) : () -> ()
    }
    %scan3A_11 = arith.constant 125 : i32
    %barrier3A_12 = arith.constant 0 : index
    tpu.barrier barrier_id(%barrier3A_12)
    %scan3A_13 = arith.constant 0 : i32
    %scan3A_14 = arith.constant 0 : i32
    %scan3A_15 = arith.constant 20 : i32
    %scan3A_16 = arith.addi %scan3A_14, %scan3A_15 : i32
    %scan3A_17 = arith.constant 1 : i32
    scf.for %scan3A_19 = %scan3A_14 to %scan3A_16 step %scan3A_17  : i32 {
      %mul3A_20 = arith.constant 640 : i32
      %mul3A_21 = arith.muli %arg1, %mul3A_20 : i32
      %mul3A_22 = arith.constant 32 : i32
      %mul3A_23 = arith.muli %scan3A_19, %mul3A_22 : i32
      %add3A_24 = arith.addi %mul3A_21, %mul3A_23 : i32
      "tpu.region"() ({
        %run_scoped3A = tpu.sem_alloc : memref<!tpu.dma_semaphore, #tpu.memory_space<semaphore_mem>>
        %dma_start3A = arith.constant 0 : i32
        %dma_start3A_30 = tpu.memref_slice %arg11[%add3A_24, %dma_start3A] : memref<10240x128xf32, #tpu.memory_space<vmem_shared>> -> memref<32x128xf32, #tpu.memory_space<vmem_shared>>
        %dma_start3A_31 = arith.constant 0 : i32
        %dma_start3A_32 = tpu.memref_slice %arg11[%add3A_24, %dma_start3A_31] : memref<10240x128xf32, #tpu.memory_space<vmem_shared>> -> memref<32x128xf32, #tpu.memory_space<vmem_shared>>
        tpu.enqueue_dma source(%dma_start3A_32 : memref<32x128xf32, #tpu.memory_space<vmem_shared>>) target(%arg10 : memref<32x128xf32, #tpu.memory_space<vmem>>) target_semaphore(%run_scoped3A : memref<!tpu.dma_semaphore, #tpu.memory_space<semaphore_mem>>)
        %dma_wait3A = arith.constant 0 : i32
        %dma_wait3A_33 = tpu.memref_slice %arg11[%add3A_24, %dma_wait3A] : memref<10240x128xf32, #tpu.memory_space<vmem_shared>> -> memref<32x128xf32, #tpu.memory_space<vmem_shared>>
        %dma_wait3A_34 = arith.constant 0 : i32
        %dma_wait3A_35 = tpu.memref_slice %arg11[%add3A_24, %dma_wait3A_34] : memref<10240x128xf32, #tpu.memory_space<vmem_shared>> -> memref<32x128xf32, #tpu.memory_space<vmem_shared>>
        tpu.wait_dma2 semaphore(%run_scoped3A : memref<!tpu.dma_semaphore, #tpu.memory_space<semaphore_mem>>) src(%dma_wait3A_35 : memref<32x128xf32, #tpu.memory_space<vmem_shared>>) dst(%arg10 : memref<32x128xf32, #tpu.memory_space<vmem>>)
        tpu.yield
      }) : () -> ()
      %mul3A_25 = arith.constant 640 : i32
      %mul3A_26 = arith.muli %arg1, %mul3A_25 : i32
      %mul3A_27 = arith.constant 32 : i32
      %mul3A_28 = arith.muli %scan3A_19, %mul3A_27 : i32
      %add3A_29 = arith.addi %mul3A_26, %mul3A_28 : i32
      "tpu.region"() ({
        %run_scoped3A = tpu.sem_alloc : memref<!tpu.dma_semaphore, #tpu.memory_space<semaphore_mem>>
        %dma_start3A = arith.constant 0 : i32
        %dma_start3A_30 = tpu.memref_slice %arg6[%arg0, %add3A_29, %dma_start3A] : memref<2x10240x128xf32, #tpu.memory_space<hbm>> -> memref<1x32x128xf32, #tpu.memory_space<hbm>>
        %dma_start3A_31 = tpu.memref_squeeze %dma_start3A_30 : memref<1x32x128xf32, #tpu.memory_space<hbm>> -> memref<32x128xf32, #tpu.memory_space<hbm>>
        %dma_start3A_32 = arith.constant 0 : i32
        %dma_start3A_33 = tpu.memref_slice %arg6[%arg0, %add3A_29, %dma_start3A_32] : memref<2x10240x128xf32, #tpu.memory_space<hbm>> -> memref<1x32x128xf32, #tpu.memory_space<hbm>>
        %dma_start3A_34 = tpu.memref_squeeze %dma_start3A_33 : memref<1x32x128xf32, #tpu.memory_space<hbm>> -> memref<32x128xf32, #tpu.memory_space<hbm>>
        tpu.enqueue_dma source(%arg10 : memref<32x128xf32, #tpu.memory_space<vmem>>) target(%dma_start3A_34 : memref<32x128xf32, #tpu.memory_space<hbm>>) target_semaphore(%run_scoped3A : memref<!tpu.dma_semaphore, #tpu.memory_space<semaphore_mem>>)
        %dma_wait3A = arith.constant 0 : i32
        %dma_wait3A_35 = tpu.memref_slice %arg6[%arg0, %add3A_29, %dma_wait3A] : memref<2x10240x128xf32, #tpu.memory_space<hbm>> -> memref<1x32x128xf32, #tpu.memory_space<hbm>>
        %dma_wait3A_36 = tpu.memref_squeeze %dma_wait3A_35 : memref<1x32x128xf32, #tpu.memory_space<hbm>> -> memref<32x128xf32, #tpu.memory_space<hbm>>
        %dma_wait3A_37 = arith.constant 0 : i32
        %dma_wait3A_38 = tpu.memref_slice %arg6[%arg0, %add3A_29, %dma_wait3A_37] : memref<2x10240x128xf32, #tpu.memory_space<hbm>> -> memref<1x32x128xf32, #tpu.memory_space<hbm>>
        %dma_wait3A_39 = tpu.memref_squeeze %dma_wait3A_38 : memref<1x32x128xf32, #tpu.memory_space<hbm>> -> memref<32x128xf32, #tpu.memory_space<hbm>>
        tpu.wait_dma2 semaphore(%run_scoped3A : memref<!tpu.dma_semaphore, #tpu.memory_space<semaphore_mem>>) src(%arg10 : memref<32x128xf32, #tpu.memory_space<vmem>>) dst(%dma_wait3A_39 : memref<32x128xf32, #tpu.memory_space<hbm>>)
        tpu.yield
      }) : () -> ()
    }
    %scan3A_18 = arith.constant 20 : i32
    return
  }
}

module attributes {stable_mosaic.version = 14 : i64} {
  func.func @_proj_body(%arg0: i32, %arg1: memref<1000x128xf32, #tpu.memory_space<vmem>>, %arg2: memref<1000x1xf32, #tpu.memory_space<vmem>>, %arg3: memref<128x128xf32, #tpu.memory_space<vmem>>, %arg4: memref<1x128xf32, #tpu.memory_space<vmem>>, %arg5: memref<1000x128xf32, #tpu.memory_space<vmem>>) attributes {dimension_semantics = [#tpu.dimension_semantics<arbitrary>], iteration_bounds = array<i64: 10>, scalar_prefetch = 0 : i64, scratch_operands = 0 : i64, tpu.core_type = #tpu.core_type<tc>, window_params = [{transform_indices = @transform_0, window_bounds = array<i64: 1000, 128>}, {transform_indices = @transform_1, window_bounds = array<i64: 1000, 1>}, {pipeline_mode = #tpu.pipeline_mode<synchronous>, transform_indices = @transform_2, window_bounds = array<i64: 128, 128>}, {pipeline_mode = #tpu.pipeline_mode<synchronous>, transform_indices = @transform_3, window_bounds = array<i64: 1, 128>}, {transform_indices = @transform_4, window_bounds = array<i64: 1000, 128>}]} {
    %get3A = arith.constant 0 : index
    %get3A_0 = arith.constant 0 : index
    %get3A_1 = vector.load %arg1[%get3A, %get3A_0] : memref<1000x128xf32, #tpu.memory_space<vmem>>, vector<1000x128xf32>
    %get3A_2 = arith.constant 0 : index
    %get3A_3 = arith.constant 0 : index
    %get3A_4 = vector.load %arg3[%get3A_2, %get3A_3] : memref<128x128xf32, #tpu.memory_space<vmem>>, vector<128x128xf32>
    %dot_general3A = arith.constant dense<0.000000e+00> : vector<1000x128xf32>
    %dot_general3A_5 = tpu.matmul %get3A_1, %get3A_4, %dot_general3A {dimension_numbers = #tpu.dot_dimension_numbers<[1], [0], [0], [1], [0, 0, 1, 1], [], []>, transpose_lhs_hint = false} : vector<1000x128xf32>, vector<128x128xf32>, vector<1000x128xf32> -> vector<1000x128xf32>
    %get3A_6 = arith.constant 0 : index
    %get3A_7 = arith.constant 0 : index
    %get3A_8 = vector.load %arg4[%get3A_6, %get3A_7] : memref<1x128xf32, #tpu.memory_space<vmem>>, vector<1x128xf32>
    %add3A = vector.broadcast %get3A_8 : vector<1x128xf32> to vector<1000x128xf32>
    %add3A_9 = arith.addf %dot_general3A_5, %add3A : vector<1000x128xf32>
    %get3A_10 = arith.constant 0 : index
    %get3A_11 = arith.constant 0 : index
    %get3A_12 = vector.load %arg2[%get3A_10, %get3A_11] : memref<1000x1xf32, #tpu.memory_space<vmem>>, vector<1000x1xf32>
    %mul3A = vector.broadcast %get3A_12 : vector<1000x1xf32> to vector<1000x128xf32>
    %mul3A_13 = arith.mulf %mul3A, %add3A_9 : vector<1000x128xf32>
    %swap3A = arith.constant 0 : index
    %swap3A_14 = arith.constant 0 : index
    %swap3A_15 = vector.load %arg5[%swap3A, %swap3A_14] : memref<1000x128xf32, #tpu.memory_space<vmem>>, vector<1000x128xf32>
    tpu.vector_store %arg5[%swap3A, %swap3A_14], %mul3A_13 {strides = array<i32>} : memref<1000x128xf32, #tpu.memory_space<vmem>>, vector<1000x128xf32>,
    return
  }
  func.func @transform_0(%arg0: i32) -> (i32, i32) {
    %c0_i32 = arith.constant 0 : i32
    %c0_i32_0 = arith.constant 0 : i32
    return %arg0, %c0_i32 : i32, i32
  }
  func.func @transform_1(%arg0: i32) -> (i32, i32) {
    %c0_i32 = arith.constant 0 : i32
    %c0_i32_0 = arith.constant 0 : i32
    return %arg0, %c0_i32 : i32, i32
  }
  func.func @transform_2(%arg0: i32) -> (i32, i32) {
    %c0_i32 = arith.constant 0 : i32
    %c0_i32_0 = arith.constant 0 : i32
    %c0_i32_1 = arith.constant 0 : i32
    return %c0_i32, %c0_i32_0 : i32, i32
  }
  func.func @transform_3(%arg0: i32) -> (i32, i32) {
    %c0_i32 = arith.constant 0 : i32
    %c0_i32_0 = arith.constant 0 : i32
    %c0_i32_1 = arith.constant 0 : i32
    return %c0_i32, %c0_i32_0 : i32, i32
  }
  func.func @transform_4(%arg0: i32) -> (i32, i32) {
    %c0_i32 = arith.constant 0 : i32
    %c0_i32_0 = arith.constant 0 : i32
    return %arg0, %c0_i32 : i32, i32
  }
}

module attributes {stable_mosaic.version = 14 : i64} {
  func.func @_comb_body(%arg0: memref<2x2560x128xf32, #tpu.memory_space<vmem>>, %arg1: memref<2560x1xf32, #tpu.memory_space<vmem>>, %arg2: memref<2560x128xf32, #tpu.memory_space<vmem>>) attributes {dimension_semantics = [], scalar_prefetch = 0 : i64, scratch_operands = 0 : i64, tpu.core_type = #tpu.core_type<tc>} {
    %get3A = arith.constant 0 : index
    %get3A_0 = arith.constant 0 : index
    %get3A_1 = vector.load %arg1[%get3A, %get3A_0] : memref<2560x1xf32, #tpu.memory_space<vmem>>, vector<2560x1xf32>
    %get3A_2 = arith.constant 0 : index
    %get3A_3 = arith.constant 0 : index
    %get3A_4 = arith.constant 0 : index
    %get3A_5 = vector.load %arg0[%get3A_2, %get3A_3, %get3A_4] : memref<2x2560x128xf32, #tpu.memory_space<vmem>>, vector<1x2560x128xf32>
    %get3A_6 = vector.shape_cast %get3A_5 : vector<1x2560x128xf32> to vector<2560x128xf32>
    %get3A_7 = arith.constant 1 : index
    %get3A_8 = arith.constant 0 : index
    %get3A_9 = arith.constant 0 : index
    %get3A_10 = vector.load %arg0[%get3A_7, %get3A_8, %get3A_9] : memref<2x2560x128xf32, #tpu.memory_space<vmem>>, vector<1x2560x128xf32>
    %get3A_11 = vector.shape_cast %get3A_10 : vector<1x2560x128xf32> to vector<2560x128xf32>
    %add3A = arith.addf %get3A_6, %get3A_11 : vector<2560x128xf32>
    %mul3A = vector.broadcast %get3A_1 : vector<2560x1xf32> to vector<2560x128xf32>
    %mul3A_12 = arith.mulf %mul3A, %add3A : vector<2560x128xf32>
    %swap3A = arith.constant 0 : index
    %swap3A_13 = arith.constant 0 : index
    %swap3A_14 = vector.load %arg2[%swap3A, %swap3A_13] : memref<2560x128xf32, #tpu.memory_space<vmem>>, vector<2560x128xf32>
    tpu.vector_store %arg2[%swap3A, %swap3A_13], %mul3A_12 {strides = array<i32>} : memref<2560x128xf32, #tpu.memory_space<vmem>>, vector<2560x128xf32>,
    return
  }
}

module attributes {stable_mosaic.version = 14 : i64} {
  func.func @_final_body(%arg0: i32, %arg1: memref<2x1000x128xf32, #tpu.memory_space<vmem>>, %arg2: memref<1000x1xf32, #tpu.memory_space<vmem>>, %arg3: memref<128x40xf32, #tpu.memory_space<vmem>>, %arg4: memref<1x40xf32, #tpu.memory_space<vmem>>, %arg5: memref<1000x128xf32, #tpu.memory_space<vmem>>, %arg6: memref<1000x40xf32, #tpu.memory_space<vmem>>) attributes {dimension_semantics = [#tpu.dimension_semantics<arbitrary>], iteration_bounds = array<i64: 10>, scalar_prefetch = 0 : i64, scratch_operands = 0 : i64, tpu.core_type = #tpu.core_type<tc>, window_params = [{transform_indices = @transform_0, window_bounds = array<i64: 2, 1000, 128>}, {transform_indices = @transform_1, window_bounds = array<i64: 1000, 1>}, {pipeline_mode = #tpu.pipeline_mode<synchronous>, transform_indices = @transform_2, window_bounds = array<i64: 128, 40>}, {pipeline_mode = #tpu.pipeline_mode<synchronous>, transform_indices = @transform_3, window_bounds = array<i64: 1, 40>}, {transform_indices = @transform_4, window_bounds = array<i64: 1000, 128>}, {transform_indices = @transform_5, window_bounds = array<i64: 1000, 40>}]} {
    %get3A = arith.constant 0 : index
    %get3A_0 = arith.constant 0 : index
    %get3A_1 = arith.constant 0 : index
    %get3A_2 = vector.load %arg1[%get3A, %get3A_0, %get3A_1] : memref<2x1000x128xf32, #tpu.memory_space<vmem>>, vector<1x1000x128xf32>
    %get3A_3 = vector.shape_cast %get3A_2 : vector<1x1000x128xf32> to vector<1000x128xf32>
    %get3A_4 = arith.constant 1 : index
    %get3A_5 = arith.constant 0 : index
    %get3A_6 = arith.constant 0 : index
    %get3A_7 = vector.load %arg1[%get3A_4, %get3A_5, %get3A_6] : memref<2x1000x128xf32, #tpu.memory_space<vmem>>, vector<1x1000x128xf32>
    %get3A_8 = vector.shape_cast %get3A_7 : vector<1x1000x128xf32> to vector<1000x128xf32>
    %add3A = arith.addf %get3A_3, %get3A_8 : vector<1000x128xf32>
    %get3A_9 = arith.constant 0 : index
    %get3A_10 = arith.constant 0 : index
    %get3A_11 = vector.load %arg2[%get3A_9, %get3A_10] : memref<1000x1xf32, #tpu.memory_space<vmem>>, vector<1000x1xf32>
    %mul3A = vector.broadcast %get3A_11 : vector<1000x1xf32> to vector<1000x128xf32>
    %mul3A_12 = arith.mulf %mul3A, %add3A : vector<1000x128xf32>
    %max3A = arith.constant 0.000000e+00 : f32
    %max3A_13 = vector.broadcast %max3A : f32 to vector<1000x128xf32>
    %max3A_14 = arith.maximumf %mul3A_12, %max3A_13 : vector<1000x128xf32>
    %swap3A = arith.constant 0 : index
    %swap3A_15 = arith.constant 0 : index
    %swap3A_16 = vector.load %arg5[%swap3A, %swap3A_15] : memref<1000x128xf32, #tpu.memory_space<vmem>>, vector<1000x128xf32>
    tpu.vector_store %arg5[%swap3A, %swap3A_15], %max3A_14 {strides = array<i32>} : memref<1000x128xf32, #tpu.memory_space<vmem>>, vector<1000x128xf32>,
    %get3A_17 = arith.constant 0 : index
    %get3A_18 = arith.constant 0 : index
    %get3A_19 = vector.load %arg3[%get3A_17, %get3A_18] : memref<128x40xf32, #tpu.memory_space<vmem>>, vector<128x40xf32>
    %dot_general3A = arith.constant dense<0.000000e+00> : vector<1000x40xf32>
    %dot_general3A_20 = tpu.matmul %max3A_14, %get3A_19, %dot_general3A {dimension_numbers = #tpu.dot_dimension_numbers<[1], [0], [0], [1], [0, 0, 1, 1], [], []>, transpose_lhs_hint = false} : vector<1000x128xf32>, vector<128x40xf32>, vector<1000x40xf32> -> vector<1000x40xf32>
    %get3A_21 = arith.constant 0 : index
    %get3A_22 = arith.constant 0 : index
    %get3A_23 = vector.load %arg4[%get3A_21, %get3A_22] : memref<1x40xf32, #tpu.memory_space<vmem>>, vector<1x40xf32>
    %add3A_24 = vector.broadcast %get3A_23 : vector<1x40xf32> to vector<1000x40xf32>
    %add3A_25 = arith.addf %dot_general3A_20, %add3A_24 : vector<1000x40xf32>
    %reduce_max3A = arith.constant dense<0xFF800000> : vector<1000xf32>
    %reduce_max3A_26 = vector.multi_reduction <maximumf>, %add3A_25, %reduce_max3A [1] : vector<1000x40xf32> to vector<1000xf32>
    %broadcast_in_dim3A = vector.shape_cast %reduce_max3A_26 : vector<1000xf32> to vector<1000x1xf32>
    %sub3A = vector.broadcast %broadcast_in_dim3A : vector<1000x1xf32> to vector<1000x40xf32>
    %sub3A_27 = arith.subf %add3A_25, %sub3A : vector<1000x40xf32>
    %exp3A = math.exp %sub3A_27 : vector<1000x40xf32>
    %reduce_sum3A = arith.constant dense<0.000000e+00> : vector<1000xf32>
    %reduce_sum3A_28 = vector.multi_reduction <add>, %exp3A, %reduce_sum3A [1] : vector<1000x40xf32> to vector<1000xf32>
    %broadcast_in_dim3A_29 = vector.shape_cast %reduce_sum3A_28 : vector<1000xf32> to vector<1000x1xf32>
    %div3A = vector.broadcast %broadcast_in_dim3A_29 : vector<1000x1xf32> to vector<1000x40xf32>
    %div3A_30 = arith.divf %exp3A, %div3A : vector<1000x40xf32>
    %swap3A_31 = arith.constant 0 : index
    %swap3A_32 = arith.constant 0 : index
    %swap3A_33 = vector.load %arg6[%swap3A_31, %swap3A_32] : memref<1000x40xf32, #tpu.memory_space<vmem>>, vector<1000x40xf32>
    tpu.vector_store %arg6[%swap3A_31, %swap3A_32], %div3A_30 {strides = array<i32>} : memref<1000x40xf32, #tpu.memory_space<vmem>>, vector<1000x40xf32>,
    return
  }
  func.func @transform_0(%arg0: i32) -> (i32, i32, i32) {
    %c0_i32 = arith.constant 0 : i32
    %c0_i32_0 = arith.constant 0 : i32
    %c0_i32_1 = arith.constant 0 : i32
    return %c0_i32, %arg0, %c0_i32_0 : i32, i32, i32
  }
  func.func @transform_1(%arg0: i32) -> (i32, i32) {
    %c0_i32 = arith.constant 0 : i32
    %c0_i32_0 = arith.constant 0 : i32
    return %arg0, %c0_i32 : i32, i32
  }
  func.func @transform_2(%arg0: i32) -> (i32, i32) {
    %c0_i32 = arith.constant 0 : i32
    %c0_i32_0 = arith.constant 0 : i32
    %c0_i32_1 = arith.constant 0 : i32
    return %c0_i32, %c0_i32_0 : i32, i32
  }
  func.func @transform_3(%arg0: i32) -> (i32, i32) {
    %c0_i32 = arith.constant 0 : i32
    %c0_i32_0 = arith.constant 0 : i32
    %c0_i32_1 = arith.constant 0 : i32
    return %c0_i32, %c0_i32_0 : i32, i32
  }
  func.func @transform_4(%arg0: i32) -> (i32, i32) {
    %c0_i32 = arith.constant 0 : i32
    %c0_i32_0 = arith.constant 0 : i32
    return %arg0, %c0_i32 : i32, i32
  }
  func.func @transform_5(%arg0: i32) -> (i32, i32) {
    %c0_i32 = arith.constant 0 : i32
    %c0_i32_0 = arith.constant 0 : i32
    return %arg0, %c0_i32 : i32, i32
  }
}

</mosaic_0001>

<sc_bundles>
// kernel: kernel.10.cloned.1.call-start
scs
__scs_entry_jumppad:
0x0: {  	(pc) =	sbr.rel $0x88, $3  }
0x1: {  	(tag) =	ssettag $0x0;
	lr =	simm.s32 $0x1  }
0x2: {  	[smem:$0x3F98] =	sst lr;
	_ =	strace $0xD0000000  }
0x3: {  	_ = 	snop  }
0x4: {  	_ = 	snop  }
0x5: {  	_ = 	snop  }
0x6: {  	_ = 	snop  }
0x7: {  	_ = 	snop  }
__scs_overlays_trampoline_lowered:
0x8: {  	[smem:$0x3FA7] =	sst s0  }
0x9: {  	[smem:$0x3FA8] =	sst s1  }
0xa: {  	[smem:$0x3FA9] =	sst s2  }
0xb: {  	[smem:$0x3FAA] =	sst s3  }
0xc: {  	[smem:$0x3FAB] =	sst s4  }
0xd: {  	[smem:$0x3FAC] =	sst s5  }
0xe: {  	[smem:$0x3FAD] =	sst s6  }
0xf: {  	[smem:$0x3FAE] =	sst s7  }
0x10: {  	[smem:$0x3FAF] =	sst s8  }
0x11: {  	[smem:$0x3FB0] =	sst s9;
	s0 =	simm.s32 @!p0 $0x0  }
0x12: {  	s1 =	sld [smem:$0x3F96];
	s0 =	simm.s32 @p0 $0x1  }
0x13: {  	[smem:$0x3FB1] =	sst s0;
	s0 =	simm.s32 @!p1 $0x0  }
0x14: {  	s2 =	sld [smem:$0x3F95];
	s0 =	simm.s32 @p1 $0x1  }
0x15: {  	[smem:$0x3FB2] =	sst s0;
	s0 =	simm.s32 @!p2 $0x0  }
0x16: {  	s3 =	sld [smem:$0x3FDB];
	s0 =	simm.s32 @p2 $0x1  }
0x17: {  	s4 =	simm.s32 $0x1BF5;
	[smem:$0x3FB4] =	sst s0  }
0x18: {  	s0 =	sld [smem:$0x3F97];
	_ =	swait.ge [sflag:s4], $0x0  }
0x19: {  	s7 =	sld [smem:$0x3F98]  }
0x1a: {  	s8 =	sadd.s32 $0xFFFFE003, lr  }
0x1b: {  	s9 =	sadd.s32 $0xFFFFFEF7, lr;
	s5 =	simm.s32 $0xFFFFFFFF;
	p2 =	slt.u32 s8, $0xFFFFF086  }
0x1c: {  	p1 =	slt.u32 s9, $0xF7A;
	s5 =	simm.s32 @!p2 $0x0  }
0x1d: {  	s5 =	simm.s32 @p1 $0x1;
	p0 =	seq.s32 s7, s2  }
0x1e: {  	s7 =	smul.u32 @!p0 $0xF7A, s2;
	p2 =	seq.s32 @!p0 s5, $0x0  }
0x1f: {  	s9 =	smul.u32 $0xF7A, s1;
	s8 =	simm.s32 @!p0 $0x1BF5;
	p2 =	por !p2, p0  }
0x20: {  	[sflag:s8] =	ssyncset.s32 @!p0 $0xFFFFF086;
	s6 =	sadd.s32 @!p0 s3, s7;
	s7 =	simm.s32 @!p0 $0x108  }
0x21: {  	s3 =	sadd.s32 s3, s9;
	s6 =	sadd.s32 @!p0 $0x88, s6;
	s7 =	simm.s32 @p2 $0x1082  }
0x22: {  	[simem:s7], [sflag:s8] =	dma.local @!p0 [hbm:s6], $0xF7A  }
0x23: {  	s9 =	sor.u32 $0xD0000000, s2;
	s6 =	simm.s32 $0x108;
	_ =	swait.ge @!p0 [sflag:s8], $0x0  }
0x24: {  	s3 =	sadd.s32 $0x88, s3;
	s6 =	simm.s32 @!p1 $0x1082;
	[sflag:s4] =	ssyncset.s32 $0xFFFFF086  }
0x25: {  	[simem:s6], [sflag:s4] =	dma.local [hbm:s3], $0xF7A  }
0x26: {  	[smem:$0x3F98] =	sst s1;
	(tag) =	ssettag s2;
	_ =	strace s9  }
0x27: {  	s1 =	sld [smem:$0x3FA8]  }
0x28: {  	s2 =	sld [smem:$0x3FA9]  }
0x29: {  	s4 =	sld [smem:$0x3FAB]  }
0x2a: {  	p0 =	seq.s32 s5, $0x0;
	s5 =	sld [smem:$0x3FAC]  }
0x2b: {  	s6 =	sld [smem:$0x3FAD]  }
0x2c: {  	s7 =	sld [smem:$0x3FAE]  }
0x2d: {  	s3 =	simm.s32 $0x108;
	s8 =	sld [smem:$0x3FAF]  }
0x2e: {  	s3 =	simm.s32 @!p0 $0x1082;
	s9 =	sld [smem:$0x3FB0]  }
0x2f: {  	lr =	sadd.s32 s0, s3;
	s0 =	sld [smem:$0x3FA7]  }
0x30: {  	s3 =	sld [smem:$0x3FAA]  }
0x31: {  	[smem:$0x3FB3] =	sst s10  }
0x32: {  	s10 =	sld [smem:$0x3FB1];
	_ =	sdelay $0x3  }
0x33: {  	p0 =	seq.s32 s10, $0x1;
	s10 =	sld [smem:$0x3FB3];
	_ =	sdelay $0x3  }
0x34: {  	[smem:$0x3FB3] =	sst s10  }
0x35: {  	s10 =	sld [smem:$0x3FB2];
	_ =	sdelay $0x3  }
0x36: {  	p1 =	seq.s32 s10, $0x1;
	s10 =	sld [smem:$0x3FB3];
	_ =	sdelay $0x3  }
0x37: {  	[smem:$0x3FB3] =	sst s10  }
0x38: {  	s10 =	sld [smem:$0x3FB4]  }
0x39: {  	_ = 	snop;
	(pc) =	sbr.ind lr, $3  }
0x3a: {  	_ = 	snop  }
0x3b: {  	_ = 	snop  }
0x3c: {  	p2 =	seq.s32 s10, $0x1;
	s10 =	sld [smem:$0x3FB3]  }
0x3d: {  	_ =	shalt  }
0x3e: {  	_ =	shalt  }
0x3f: {  	_ =	shalt  }
0x40: {  	_ =	shalt  }
0x41: {  	_ =	shalt  }
0x42: {  	_ =	shalt  }
0x43: {  	_ =	shalt  }
0x44: {  	_ =	shalt  }
0x45: {  	_ =	shalt  }
0x46: {  	_ =	shalt  }
0x47: {  	_ =	shalt  }
0x48: {  	_ =	shalt  }
0x49: {  	_ =	shalt  }
0x4a: {  	_ =	shalt  }
0x4b: {  	_ =	shalt  }
0x4c: {  	_ =	shalt  }
0x4d: {  	_ =	shalt  }
0x4e: {  	_ =	shalt  }
0x4f: {  	_ =	shalt  }
0x50: {  	_ =	shalt  }
0x51: {  	_ =	shalt  }
0x52: {  	_ =	shalt  }
0x53: {  	_ =	shalt  }
0x54: {  	_ =	shalt  }
0x55: {  	_ =	shalt  }
0x56: {  	_ =	shalt  }
0x57: {  	_ =	shalt  }
0x58: {  	_ =	shalt  }
0x59: {  	_ =	shalt  }
0x5a: {  	_ =	shalt  }
0x5b: {  	_ =	shalt  }
0x5c: {  	_ =	shalt  }
0x5d: {  	_ =	shalt  }
0x5e: {  	_ =	shalt  }
0x5f: {  	_ =	shalt  }
0x60: {  	_ =	shalt  }
0x61: {  	_ =	shalt  }
0x62: {  	_ =	shalt  }
0x63: {  	_ =	shalt  }
0x64: {  	_ =	shalt  }
0x65: {  	_ =	shalt  }
0x66: {  	_ =	shalt  }
0x67: {  	_ =	shalt  }
0x68: {  	_ =	shalt  }
0x69: {  	_ =	shalt  }
0x6a: {  	_ =	shalt  }
0x6b: {  	_ =	shalt  }
0x6c: {  	_ =	shalt  }
0x6d: {  	_ =	shalt  }
0x6e: {  	_ =	shalt  }
0x6f: {  	_ =	shalt  }
0x70: {  	_ =	shalt  }
0x71: {  	_ =	shalt  }
0x72: {  	_ =	shalt  }
0x73: {  	_ =	shalt  }
0x74: {  	_ =	shalt  }
0x75: {  	_ =	shalt  }
0x76: {  	_ =	shalt  }
0x77: {  	_ =	shalt  }
0x78: {  	_ =	shalt  }
0x79: {  	_ =	shalt  }
0x7a: {  	_ =	shalt  }
0x7b: {  	_ =	shalt  }
0x7c: {  	_ =	shalt  }
0x7d: {  	_ =	shalt  }
0x7e: {  	_ =	shalt  }
0x7f: {  	_ =	shalt  }
0x80: {  	_ =	shalt  }
0x81: {  	_ =	shalt  }
0x82: {  	_ =	shalt  }
0x83: {  	_ =	shalt  }
0x84: {  	_ =	shalt  }
0x85: {  	_ =	shalt  }
0x86: {  	_ =	shalt  }
0x87: {  	_ =	shalt  }
.Lfunc_end0:
.L_simem_size_0:
called_computation.1_lowered:
.L_overlay_start_0:
0x88: {  	s2 =	sld [smem:$0x3FD9]  }
0x89: {  	s3 =	sld [smem:$0x3FFE];
	_ =	sdelay $0x1  }
0x8a: {  	s1 =	srdreg.scid  }
0x8b: {  	s0 =	sand.u32 $0x1, s1  }
0x8c: {  	s14 =	sshll.u32 s0, $0xA;
	s2 =	sadd.s32 s3, s2  }
0x8d: {  	s2 =	sadd.s32 s2, s14  }
0x8e: {  	[smem:$0x3FBF] =	sst s2  }
0x8f: {  	_ = 	snop  }
0x90: {  	s2 =	sld [smem:$0x3FD0];
	_ =	sdelay $0x2  }
0x91: {  	s15 =	simm.s32 $0xA;
	s4 =	simm.s32 $0x10  }
0x92: {  	[smem:s4], [sflag:s15] =	dma.local [hbm:s2], $0x1  }
0x93: {  	_ =	swait.eq [sflag:s15], $0x1  }
0x94: {  	[sflag:s15] =	ssyncset.done $0x0  }
0x95: {  	[sflag:s15] =	ssyncadd.s32 $0xFFFFFFFF  }
0x96: {  	s16 =	sld [smem:$0x11];
	(tm) =	ssettm $0x1  }
0x97: {  	s17 =	sld [smem:$0x3FFB];
	_ =	sdelay $0x3  }
0x98: {  	_ =	strace s17  }
0x99: {  	s3 =	sld [smem:$0x3FFC];
	_ =	sdelay $0x3  }
0x9a: {  	_ =	strace s3  }
0x9b: {  	s3 =	sld [smem:$0x3FFD];
	_ =	sdelay $0x3  }
0x9c: {  	_ =	strace s3  }
0x9d: {  	_ =	strace $0x8FFFFFFF  }
0x9e: {  	s18 =	sld [smem:$0x3FDB];
	_ =	sdelay $0x1  }
0x9f: {  	s19 =	simm.s32 $_scs_section_size  }
0xa0: {  	s5 =	simm.s32 $_size__tile_overlayer_lowered;
	s6 =	simm.s32 $_tile_overlayer_lowered  }
0xa1: {  	s22 =	simm.s32 $0x1BFF;
	s21 =	sshll.u32 s6, $0x1;
	s3 =	sadd.s32 s19, s18  }
0xa2: {  	s7 =	simm.s32 $0x0;
	s20 =	sshll.u32 s5, $0x1;
	s5 =	sadd.s32 s21, s3  }
0xa3: {  	[timem:s7], [sflag:s22] =	dma.local [hbm:s5], s20  }
0xa4: {  	_ =	swait.ge [sflag:s22], s20  }
0xa5: {  	s4 =	ssub.s32 $0x0, s20;
	[sflag:s22] =	ssyncset.done $0x0  }
0xa6: {  	[sflag:s22] =	ssyncadd.s32 s4;
	_ =	sdelay $0x1  }
0xa7: {  	s23 =	simm.s32 $0x1B8B  }
0xa8: {  	_ =	swait.ge [sflag:s23], $0x1  }
0xa9: {  	[sflag:s23] =	ssyncset.done $0x0  }
0xaa: {  	s25 =	simm.s32 $0x1B8E;
	s24 =	sld [smem:$0x3FFE];
	[sflag:s23] =	ssyncadd.s32 $0xFFFFFFFF  }
0xab: {  	s26 =	simm.s32 $execute0_lowered;
	[smem:$0x3FD2] =	sst s25  }
0xac: {  	s5 =	sshll.u32 s26, $0x1;
	_ =	strace $0x80000049;
	[dreg:$0x1] =	wrdreg $0xFFFFFFFF  }
0xad: {  	s28 =	simm.s32 $_size_execute0_lowered;
	s3 =	sadd.s32 s3, s5;
	[dreg:$0x0] =	wrdreg $0x0  }
0xae: {  	s5 =	sshll.u32 s28, $0x1;
	[dreg:$0x2] =	wrdreg s3  }
0xaf: {  	[dreg:$0x3] =	wrdreg s5  }
0xb0: {  	[dreg:$0x4] =	wrdreg $0xC0  }
0xb1: {  	_ =	task [dreg:s7], $0x5FFFF  }
0xb2: {  	[dreg:$0x1] =	wrdreg $0xFFFFFFFF  }
0xb3: {  	[dreg:$0x0] =	wrdreg $0x60  }
0xb4: {  	[dreg:$0x2] =	wrdreg s16  }
0xb5: {  	[dreg:$0x3] =	wrdreg s24  }
0xb6: {  	[dreg:$0x4] =	wrdreg $0xB8000  }
0xb7: {  	[dreg:$0x5] =	wrdreg $0x9  }
0xb8: {  	_ =	task.clear_ibuf [dreg:s7], $0x6FFFF;
	_ =	strace $0x90000049  }
0xb9: {  	s29 =	simm.s32 $0x9;
	_ =	strace $0x8000004B  }
0xba: {  	_ =	swait.ge [sflag:s29], $0x1  }
0xbb: {  	[sflag:s29] =	ssyncadd.s32 $0xFFFFFFFF  }
0xbc: {  	_ =	strace $0x9000004B  }
0xbd: {  	_ =	sfence  }
0xbe: {  	s30 =	sld [smem:$0x0];
	_ =	sdelay $0x2  }
0xbf: {  	s31 =	sshll.u32 s1, $0xD;
	s1 =	sshrl.u32 s1, $0x2  }
0xc0: {  	s3 =	sand.u32 $0x4000, s31;
	s1 =	sadd.s32 s1, s30  }
0xc1: {  	s0 =	sor.u32 s3, s0;
	s1 =	sshll.u32 s1, $0x11  }
0xc2: {  	s0 =	sor.u32 s1, s0  }
0xc3: {  	s0 =	sadd.s32 $0x8F2B, s0  }
0xc4: {  	[sflag:s0] =	ssyncadd.remote.s32 $0x1  }
0xc5: {  	_ =	sfence.sel $0xFFFF  }
0xc6: {  	[dreg:$0x0] =	wrdreg $0xFFFFFFFF;
	(pc) =	sbr.abs _section_cstart, $3  }
0xc7: {  	[dreg:$0x1] =	wrdreg $0xFFFFFFFF  }
0xc8: {  	_ =	task.clear_ibuf [dreg:s7], $0x2FFFF;
	_ =	strace $0x9FFFFFFF  }
0xc9: {  	(tm) =	ssettm $0x7FFFFFFF  }
tec
execute0_lowered:
.L_overlay_start_1:
0x0: {  	(tag) =	ssettag $0x1  }
0x1: {  	s1 =	rddreg [dreg:$0x0]  }
0x2: {  	s0 =	rddreg [dreg:$0x1]  }
0x3: {  	s2 =	rddreg [dreg:$0x2];
	s3 =	srdreg.scid  }
0x4: {  	s4 =	simm.s32 $0x0;
	s9 =	stileid.u32;
	s31 =	simm.s32 $0x2  }
0x5: {  	s3 =	sand.u32 $0x1, s3;
	s7 =	sshll.u32 s9, $0xB;
	s8 =	smul.u32 $0x14000, s9  }
0x6: {  	[smem:$0x7FF] =	sst s4;
	s19 =	smul.u32 $0x50000, s9;
	s20 =	sadd.s32 $0x22200, s0  }
0x7: {  	s5 =	smul.u32 $0x140000, s3;
	s6 =	sshll.u32 s3, $0xF;
	_ =	strace $0x8000004A  }
0x8: {  	s3 =	ssub.s32 $0x2, s3;
	[dreg:$0x4] =	wrdreg s20;
	s6 =	sor.u32 s7, s6  }
0x9: {  	s21 =	sshrl.u32 s3, $0x1;
	s23 =	sshrl.u32 s19, $0x2;
	s7 =	simm.s32 $0x0  }
0xa: {  	s6 =	sadd.s32 s6, s0;
	s5 =	sadd.s32 s8, s5;
	s3 =	ssub.s32 s3, s21  }
0xb: {  	s10 =	sadd.s32 s23, s2;
	s5 =	sshrl.u32 s5, $0x3;
	s22 =	sadd.s32 $0x12200, s6  }
0xc: {  	s6 =	sadd.s32 $0x2200, s6;
	s3 =	smax.u32 s3, $0x1;
	s24 =	sadd.s32 $0x1000, s10  }
0xd: {  	s25 =	sadd.s32 $0x2000, s10;
	s26 =	sadd.s32 $0x3000, s10;
	s13 =	sadd.s32 $0x4000, s10  }
0xe: {  	s14 =	sadd.s32 $0x5000, s10;
	s15 =	sadd.s32 $0x6000, s10;
	s16 =	sadd.s32 $0x7000, s10  }
0xf: {  	s17 =	sadd.s32 $0x8000, s10;
	s18 =	sadd.s32 $0x9000, s10;
	[dreg:$0x5] =	wrdreg s22  }
0x10: {  	s19 =	sadd.s32 $0xA000, s10;
	s20 =	sadd.s32 $0xB000, s10;
	[dreg:$0x6] =	wrdreg s6  }
0x11: {  	s21 =	sadd.s32 $0xC000, s10;
	s23 =	sadd.s32 $0xE000, s10;
	[dreg:$0x7] =	wrdreg s3  }
0x12: {  	s28 =	sadd.s32 $0x11000, s10;
	s29 =	sadd.s32 $0x12000, s10;
	[dreg:$0x8] =	wrdreg s24  }
0x13: {  	s30 =	sadd.s32 $0x13000, s10;
	s0 =	sadd.s32 s5, s0;
	[dreg:$0x9] =	wrdreg s25  }
0x14: {  	[dreg:$0xa] =	wrdreg s26;
	s22 =	sadd.s32 $0xD000, s10;
	s24 =	sadd.s32 $0xF000, s10  }
0x15: {  	s26 =	sadd.s32 $0x10000, s10;
	s3 =	simm.s32 $0xA800;
	s5 =	simm.s32 $0x8000  }
0x16: {  	s6 =	simm.s32 $0x1;
	s25 =	sadd.s32 $0x49400, s0;
	s0 =	simm.s32 $0x50  }
.LBB2_1:
0x17: {  	s8 =	rddreg [dreg:$0x5]  }
0x18: {  	[tilespmem:s4], [sflag:$0x2] =	stream.linear.gather [hbm4b:s8+s4], $0x3E80, $0x38;
	[tilespmem:$0x1F800] =	vst v63  }
0x19: {  	_ =	swait.ge [sflag:s31], $0x3E80  }
0x1a: {  	[sflag:s31] =	ssyncset.done $0x0  }
0x1b: {  	s9 =	simm.s32 $0x4000;
	s12 =	rddreg [dreg:$0x6];
	[sflag:s31] =	ssyncadd.s32 $0xFFFFC180  }
0x1c: {  	[tilespmem:s9], [sflag:$0x2] =	stream.linear.gather [hbm4b:s12+s4], $0x3E80, $0x38;
	[tilespmem:$0x1F800] =	vst v63  }
0x1d: {  	_ =	swait.ge [sflag:s31], $0x3E80  }
0x1e: {  	[sflag:s31] =	ssyncset.done $0x0  }
0x1f: {  	s9 =	rddreg [dreg:$0x4];
	[sflag:s31] =	ssyncadd.s32 $0xFFFFC180  }
0x20: {  	[tilespmem:s3], [sflag:$0x2] =	stream.linear.gather [hbm4b:s9+s4], $0x1000, $0x38;
	[tilespmem:$0x1F800] =	vst v63  }
0x21: {  	_ =	swait.ge [sflag:s31], $0x1000  }
0x22: {  	[sflag:s31] =	ssyncset.done $0x0  }
0x23: {  	[sflag:s31] =	ssyncadd.s32 $0xFFFFF000  }
0x24: {  	[spmem:s10] =	stream.linear.scatter [tilespmem:s3], [sflag:$0x2], $0x1000, $0x38;
	[tilespmem:$0x1F800] =	vst v63  }
0x25: {  	_ =	swait.ge [sflag:s31], $0x1000  }
0x26: {  	[sflag:s31] =	ssyncset.done $0x0  }
0x27: {  	s11 =	rddreg [dreg:$0x8];
	[sflag:s31] =	ssyncadd.s32 $0xFFFFF000  }
0x28: {  	[spmem:s11] =	stream.linear.scatter [tilespmem:s3], [sflag:$0x2], $0x1000, $0x38;
	[tilespmem:$0x1F800] =	vst v63  }
0x29: {  	_ =	swait.ge [sflag:s31], $0x1000  }
0x2a: {  	[sflag:s31] =	ssyncset.done $0x0  }
0x2b: {  	s12 =	rddreg [dreg:$0x9];
	[sflag:s31] =	ssyncadd.s32 $0xFFFFF000  }
0x2c: {  	[spmem:s12] =	stream.linear.scatter [tilespmem:s3], [sflag:$0x2], $0x1000, $0x38;
	[tilespmem:$0x1F800] =	vst v63  }
0x2d: {  	_ =	swait.ge [sflag:s31], $0x1000  }
0x2e: {  	[sflag:s31] =	ssyncset.done $0x0  }
0x2f: {  	s9 =	rddreg [dreg:$0xa];
	[sflag:s31] =	ssyncadd.s32 $0xFFFFF000  }
0x30: {  	[spmem:s9] =	stream.linear.scatter [tilespmem:s3], [sflag:$0x2], $0x1000, $0x38;
	[tilespmem:$0x1F800] =	vst v63  }
0x31: {  	_ =	swait.ge [sflag:s31], $0x1000  }
0x32: {  	[sflag:s31] =	ssyncset.done $0x0  }
0x33: {  	[sflag:s31] =	ssyncadd.s32 $0xFFFFF000  }
0x34: {  	[spmem:s13] =	stream.linear.scatter [tilespmem:s3], [sflag:$0x2], $0x1000, $0x38;
	[tilespmem:$0x1F800] =	vst v63  }
0x35: {  	_ =	swait.ge [sflag:s31], $0x1000  }
0x36: {  	[sflag:s31] =	ssyncset.done $0x0  }
0x37: {  	[sflag:s31] =	ssyncadd.s32 $0xFFFFF000  }
0x38: {  	[spmem:s14] =	stream.linear.scatter [tilespmem:s3], [sflag:$0x2], $0x1000, $0x38;
	[tilespmem:$0x1F800] =	vst v63  }
0x39: {  	_ =	swait.ge [sflag:s31], $0x1000  }
0x3a: {  	[sflag:s31] =	ssyncset.done $0x0  }
0x3b: {  	[sflag:s31] =	ssyncadd.s32 $0xFFFFF000  }
0x3c: {  	[spmem:s15] =	stream.linear.scatter [tilespmem:s3], [sflag:$0x2], $0x1000, $0x38;
	[tilespmem:$0x1F800] =	vst v63  }
0x3d: {  	_ =	swait.ge [sflag:s31], $0x1000  }
0x3e: {  	[sflag:s31] =	ssyncset.done $0x0  }
0x3f: {  	[sflag:s31] =	ssyncadd.s32 $0xFFFFF000  }
0x40: {  	[spmem:s16] =	stream.linear.scatter [tilespmem:s3], [sflag:$0x2], $0x1000, $0x38;
	[tilespmem:$0x1F800] =	vst v63  }
0x41: {  	_ =	swait.ge [sflag:s31], $0x1000  }
0x42: {  	[sflag:s31] =	ssyncset.done $0x0  }
0x43: {  	[sflag:s31] =	ssyncadd.s32 $0xFFFFF000  }
0x44: {  	[spmem:s17] =	stream.linear.scatter [tilespmem:s3], [sflag:$0x2], $0x1000, $0x38;
	[tilespmem:$0x1F800] =	vst v63  }
0x45: {  	_ =	swait.ge [sflag:s31], $0x1000  }
0x46: {  	[sflag:s31] =	ssyncset.done $0x0  }
0x47: {  	[sflag:s31] =	ssyncadd.s32 $0xFFFFF000  }
0x48: {  	[spmem:s18] =	stream.linear.scatter [tilespmem:s3], [sflag:$0x2], $0x1000, $0x38;
	[tilespmem:$0x1F800] =	vst v63  }
0x49: {  	_ =	swait.ge [sflag:s31], $0x1000  }
0x4a: {  	[sflag:s31] =	ssyncset.done $0x0  }
0x4b: {  	[sflag:s31] =	ssyncadd.s32 $0xFFFFF000  }
0x4c: {  	[spmem:s19] =	stream.linear.scatter [tilespmem:s3], [sflag:$0x2], $0x1000, $0x38;
	[tilespmem:$0x1F800] =	vst v63  }
0x4d: {  	_ =	swait.ge [sflag:s31], $0x1000  }
0x4e: {  	[sflag:s31] =	ssyncset.done $0x0  }
0x4f: {  	[sflag:s31] =	ssyncadd.s32 $0xFFFFF000  }
0x50: {  	[spmem:s20] =	stream.linear.scatter [tilespmem:s3], [sflag:$0x2], $0x1000, $0x38;
	[tilespmem:$0x1F800] =	vst v63  }
0x51: {  	_ =	swait.ge [sflag:s31], $0x1000  }
0x52: {  	[sflag:s31] =	ssyncset.done $0x0  }
0x53: {  	[sflag:s31] =	ssyncadd.s32 $0xFFFFF000  }
0x54: {  	[spmem:s21] =	stream.linear.scatter [tilespmem:s3], [sflag:$0x2], $0x1000, $0x38;
	[tilespmem:$0x1F800] =	vst v63  }
0x55: {  	_ =	swait.ge [sflag:s31], $0x1000  }
0x56: {  	[sflag:s31] =	ssyncset.done $0x0  }
0x57: {  	[sflag:s31] =	ssyncadd.s32 $0xFFFFF000  }
0x58: {  	[spmem:s22] =	stream.linear.scatter [tilespmem:s3], [sflag:$0x2], $0x1000, $0x38;
	[tilespmem:$0x1F800] =	vst v63  }
0x59: {  	_ =	swait.ge [sflag:s31], $0x1000  }
0x5a: {  	[sflag:s31] =	ssyncset.done $0x0  }
0x5b: {  	[sflag:s31] =	ssyncadd.s32 $0xFFFFF000  }
0x5c: {  	[spmem:s23] =	stream.linear.scatter [tilespmem:s3], [sflag:$0x2], $0x1000, $0x38;
	[tilespmem:$0x1F800] =	vst v63  }
0x5d: {  	_ =	swait.ge [sflag:s31], $0x1000  }
0x5e: {  	[sflag:s31] =	ssyncset.done $0x0  }
0x5f: {  	[sflag:s31] =	ssyncadd.s32 $0xFFFFF000  }
0x60: {  	[spmem:s24] =	stream.linear.scatter [tilespmem:s3], [sflag:$0x2], $0x1000, $0x38;
	[tilespmem:$0x1F800] =	vst v63  }
0x61: {  	_ =	swait.ge [sflag:s31], $0x1000  }
0x62: {  	[sflag:s31] =	ssyncset.done $0x0  }
0x63: {  	[sflag:s31] =	ssyncadd.s32 $0xFFFFF000  }
0x64: {  	[spmem:s26] =	stream.linear.scatter [tilespmem:s3], [sflag:$0x2], $0x1000, $0x38;
	[tilespmem:$0x1F800] =	vst v63  }
0x65: {  	_ =	swait.ge [sflag:s31], $0x1000  }
0x66: {  	[sflag:s31] =	ssyncset.done $0x0  }
0x67: {  	[sflag:s31] =	ssyncadd.s32 $0xFFFFF000  }
0x68: {  	[spmem:s28] =	stream.linear.scatter [tilespmem:s3], [sflag:$0x2], $0x1000, $0x38;
	[tilespmem:$0x1F800] =	vst v63  }
0x69: {  	_ =	swait.ge [sflag:s31], $0x1000  }
0x6a: {  	[sflag:s31] =	ssyncset.done $0x0  }
0x6b: {  	[sflag:s31] =	ssyncadd.s32 $0xFFFFF000  }
0x6c: {  	[spmem:s29] =	stream.linear.scatter [tilespmem:s3], [sflag:$0x2], $0x1000, $0x38;
	[tilespmem:$0x1F800] =	vst v63  }
0x6d: {  	_ =	swait.ge [sflag:s31], $0x1000  }
0x6e: {  	[sflag:s31] =	ssyncset.done $0x0  }
0x6f: {  	[sflag:s31] =	ssyncadd.s32 $0xFFFFF000  }
0x70: {  	[spmem:s30] =	stream.linear.scatter [tilespmem:s3], [sflag:$0x2], $0x1000, $0x38;
	[tilespmem:$0x1F800] =	vst v63  }
0x71: {  	_ =	swait.ge [sflag:s31], $0x1000  }
0x72: {  	[sflag:s31] =	ssyncset.done $0x0  }
0x73: {  	[sflag:s31] =	ssyncadd.s32 $0xFFFFF000  }
0x74: {  	s11 =	simm.s32 $0x0;
	[bflag:$0x0] =	sbarrier.arrive $0xFFFF  }
0x75: {  	[tilespmem:s5], [sflag:$0x1] =	stream.indirect.gather [hbm4b:s1+s0], $0x80, s11, s0, $0xb8;
	[tilespmem:$0x1F800] =	vst v63  }
0x76: {  	_ =	swait.ge [sflag:s6], $0x2800  }
0x77: {  	[sflag:s6] =	ssyncset.done $0x0  }
0x78: {  	s12 =	simm.s32 $0x4000;
	[sflag:s6] =	ssyncadd.s32 $0xFFFFD800  }
0x79: {  	[spmem:s2] =	stream.indirect.scatter.add.f32 [tilespmem:s5], [sflag:$0x2], $0x80, s12, s0, $0xb8;
	[tilespmem:$0x1F800] =	vst v63  }
0x7a: {  	_ =	swait.ge [sflag:s31], $0x2800  }
0x7b: {  	s8 =	simm.s32 $0x400;
	s9 =	simm.s32 $0x200;
	[sflag:s31] =	ssyncset.done $0x0  }
.LBB2_2:
0x7c: {  	s11 =	sshra.s32 s9, $0x2  }
0x7d: {  	[sflag:s31] =	ssyncadd.s32 $0xFFFFD800;
	s9 =	smov.u32 s8;
	s12 =	sadd.s32 $0x200, s8  }
0x7e: {  	[tilespmem:s5], [sflag:$0x1] =	stream.indirect.gather [hbm4b:s1+s0], $0x80, s11, s0, $0xb8;
	[tilespmem:$0x1F800] =	vst v63  }
0x7f: {  	p0 =	sne.s32 s8, $0xF800;
	_ =	swait.ge [sflag:s6], $0x2800  }
.Ltmp0:
0x80: {  	[sflag:s6] =	ssyncset.done $0x0;
	(pc) =	sbr.rel @p0 .LBB2_2-.Ltmp0, $4  }
0x81: {  	s8 =	sadd.s32 $0x4000, s11;
	[sflag:s6] =	ssyncadd.s32 $0xFFFFD800  }
0x82: {  	[spmem:s2] =	stream.indirect.scatter.add.f32 [tilespmem:s5], [sflag:$0x2], $0x80, s8, s0, $0xb8;
	[tilespmem:$0x1F800] =	vst v63  }
0x83: {  	_ =	swait.ge [sflag:s31], $0x2800  }
0x84: {  	s8 =	smov.u32 s12;
	[sflag:s31] =	ssyncset.done $0x0  }
0x85: {  	s8 =	sshra.s32 s9, $0x2;
	[sflag:s31] =	ssyncadd.s32 $0xFFFFD800  }
0x86: {  	[tilespmem:s5], [sflag:$0x1] =	stream.indirect.gather [hbm4b:s1+s0], $0x80, s8, s0, $0xb8;
	[tilespmem:$0x1F800] =	vst v63  }
0x87: {  	_ =	swait.ge [sflag:s6], $0x2800  }
0x88: {  	[sflag:s6] =	ssyncset.done $0x0  }
0x89: {  	s8 =	sadd.s32 $0x4000, s8;
	[sflag:s6] =	ssyncadd.s32 $0xFFFFD800  }
0x8a: {  	[spmem:s2] =	stream.indirect.scatter.add.f32 [tilespmem:s5], [sflag:$0x2], $0x80, s8, s0, $0xb8;
	[tilespmem:$0x1F800] =	vst v63  }
0x8b: {  	_ =	swait.ge [sflag:s31], $0x2800  }
0x8c: {  	[sflag:s31] =	ssyncset.done $0x0  }
0x8d: {  	[sflag:s31] =	ssyncadd.s32 $0xFFFFD800  }
0x8e: {  	[bflag:$0x0] =	sbarrier.arrive $0xFFFF  }
0x8f: {  	[tilespmem:s3], [sflag:$0x2] =	stream.linear.gather [spmem:s10], $0x1000, $0x38;
	[tilespmem:$0x1F800] =	vst v63  }
0x90: {  	_ =	swait.ge [sflag:s31], $0x1000  }
0x91: {  	[sflag:s31] =	ssyncset.done $0x0  }
0x92: {  	s12 =	sadd.s32 $0x0, s25;
	[sflag:s31] =	ssyncadd.s32 $0xFFFFF000  }
0x93: {  	[hbm4b:s12+s4] =	stream.linear.scatter [tilespmem:s3], [sflag:$0x2], $0x1000, $0x38;
	[tilespmem:$0x1F800] =	vst v63  }
0x94: {  	_ =	swait.ge [sflag:s31], $0x1000  }
0x95: {  	s9 =	simm.s32 $0x200;
	s8 =	smov.u32 s10;
	[sflag:s31] =	ssyncset.done $0x0  }
.LBB2_4:
0x96: {  	p0 =	sne.s32 s9, $0x2600;
	[sflag:s31] =	ssyncadd.s32 $0xFFFFF000;
	s8 =	sadd.s32 $0x1000, s8  }
0x97: {  	[tilespmem:s3], [sflag:$0x2] =	stream.linear.gather [spmem:s8], $0x1000, $0x38;
	[tilespmem:$0x1F800] =	vst v63  }
0x98: {  	s11 =	smov.u32 s9;
	s9 =	sadd.s32 $0x200, s9;
	_ =	swait.ge [sflag:s31], $0x1000  }
.Ltmp1:
0x99: {  	[sflag:s31] =	ssyncset.done $0x0;
	(pc) =	sbr.rel @p0 .LBB2_4-.Ltmp1, $4  }
0x9a: {  	s11 =	sadd.s32 s11, s25;
	[sflag:s31] =	ssyncadd.s32 $0xFFFFF000  }
0x9b: {  	[hbm4b:s11+s4] =	stream.linear.scatter [tilespmem:s3], [sflag:$0x2], $0x1000, $0x38;
	[tilespmem:$0x1F800] =	vst v63  }
0x9c: {  	_ =	swait.ge [sflag:s31], $0x1000  }
0x9d: {  	[sflag:s31] =	ssyncset.done $0x0  }
0x9e: {  	s7 =	sadd.s32 $0x1, s7;
	s8 =	rddreg [dreg:$0x7]  }
0x9f: {  	p0 =	sne.s32 s7, s8  }
.Ltmp2:
0xa0: {  	_ = 	snop;
	(pc) =	sbr.rel @p0 .LBB2_1-.Ltmp2, $2  }
0xa1: {  	_ =	sdelay $0x2  }
0xa2: {  	[sflag:s31] =	ssyncadd.s32 $0xFFFFF000  }
0xa3: {  	_ =	sfence.sel $0x180000  }
0xa4: {  	[bflag:$0x0] =	sbarrier.arrive $0xFFFF  }
0xa5: {  	_ =	strace $0x9000004A  }
0xa6: {  	s0 =	stileid.u32;
	[bflag:$0x2] =	sbarrier.arrive $0xFFFF  }
0xa7: {  	p0 =	sne.s32 s0, $0x0;
	s0 =	rddreg [dreg:$0x3]  }
0xa8: {  	s0 =	sadd.s32 @!p0 $0x100000, s0  }
0xa9: {  	[sflag:s0] =	ssyncadd.tile.s32 @!p0 $0x1;
	_ =	shalt  }
.Lfunc_end2:
_tile_overlayer_lowered:
.L_overlay_start_2:
0xaa: {  	(tag) =	ssettag $0x2  }
0xab: {  	s0 =	rddreg [dreg:$0x0];
	s2 =	stileid.u32  }
0xac: {  	s1 =	rddreg [dreg:$0x1];
	p0 =	sne.s32 s2, $0x0  }
0xad: {  	s3 =	rddreg [dreg:$0x2];
	[bflag:$0x3] =	sbarrier.arrive $0xFFFF;
	s2 =	simm.s32 @!p0 $0x1C02  }
0xae: {  	[timem:s3], [sflag:s2] =	dma.local @!p0 [hbm:s0], s1  }
0xaf: {  	s0 =	simm.s32 @!p0 $0x2  }
0xb0: {  	_ =	swait.ge @!p0 [sflag:s0], s1  }
0xb1: {  	s1 =	ssub.s32 @!p0 $0x0, s1;
	[sflag:s0] =	ssyncset.done @!p0 $0x0  }
0xb2: {  	[sflag:s0] =	ssyncadd.s32 @!p0 s1  }
0xb3: {  	[bflag:$0x3] =	sbarrier.arrive $0xFFFF  }
0xb4: {  	_ =	shalt  }

// kernel: kernel.7.cloned.1.call-start
scs
__scs_entry_jumppad:
0x0: {  	(pc) =	sbr.rel $0x88, $3  }
0x1: {  	(tag) =	ssettag $0x0;
	lr =	simm.s32 $0x1  }
0x2: {  	[smem:$0x3F98] =	sst lr;
	_ =	strace $0xD0000000  }
0x3: {  	_ = 	snop  }
0x4: {  	_ = 	snop  }
0x5: {  	_ = 	snop  }
0x6: {  	_ = 	snop  }
0x7: {  	_ = 	snop  }
__scs_overlays_trampoline_lowered:
0x8: {  	[smem:$0x3FA7] =	sst s0  }
0x9: {  	[smem:$0x3FA8] =	sst s1  }
0xa: {  	[smem:$0x3FA9] =	sst s2  }
0xb: {  	[smem:$0x3FAA] =	sst s3  }
0xc: {  	[smem:$0x3FAB] =	sst s4  }
0xd: {  	[smem:$0x3FAC] =	sst s5  }
0xe: {  	[smem:$0x3FAD] =	sst s6  }
0xf: {  	[smem:$0x3FAE] =	sst s7  }
0x10: {  	[smem:$0x3FAF] =	sst s8  }
0x11: {  	[smem:$0x3FB0] =	sst s9;
	s0 =	simm.s32 @!p0 $0x0  }
0x12: {  	s1 =	sld [smem:$0x3F96];
	s0 =	simm.s32 @p0 $0x1  }
0x13: {  	[smem:$0x3FB1] =	sst s0;
	s0 =	simm.s32 @!p1 $0x0  }
0x14: {  	s2 =	sld [smem:$0x3F95];
	s0 =	simm.s32 @p1 $0x1  }
0x15: {  	[smem:$0x3FB2] =	sst s0;
	s0 =	simm.s32 @!p2 $0x0  }
0x16: {  	s3 =	sld [smem:$0x3FDB];
	s0 =	simm.s32 @p2 $0x1  }
0x17: {  	s4 =	simm.s32 $0x1BF5;
	[smem:$0x3FB4] =	sst s0  }
0x18: {  	s0 =	sld [smem:$0x3F97];
	_ =	swait.ge [sflag:s4], $0x0  }
0x19: {  	s7 =	sld [smem:$0x3F98]  }
0x1a: {  	s8 =	sadd.s32 $0xFFFFE003, lr  }
0x1b: {  	s9 =	sadd.s32 $0xFFFFFEF7, lr;
	s5 =	simm.s32 $0xFFFFFFFF;
	p2 =	slt.u32 s8, $0xFFFFF086  }
0x1c: {  	p1 =	slt.u32 s9, $0xF7A;
	s5 =	simm.s32 @!p2 $0x0  }
0x1d: {  	s5 =	simm.s32 @p1 $0x1;
	p0 =	seq.s32 s7, s2  }
0x1e: {  	s7 =	smul.u32 @!p0 $0xF7A, s2;
	p2 =	seq.s32 @!p0 s5, $0x0  }
0x1f: {  	s9 =	smul.u32 $0xF7A, s1;
	s8 =	simm.s32 @!p0 $0x1BF5;
	p2 =	por !p2, p0  }
0x20: {  	[sflag:s8] =	ssyncset.s32 @!p0 $0xFFFFF086;
	s6 =	sadd.s32 @!p0 s3, s7;
	s7 =	simm.s32 @!p0 $0x108  }
0x21: {  	s3 =	sadd.s32 s3, s9;
	s6 =	sadd.s32 @!p0 $0x88, s6;
	s7 =	simm.s32 @p2 $0x1082  }
0x22: {  	[simem:s7], [sflag:s8] =	dma.local @!p0 [hbm:s6], $0xF7A  }
0x23: {  	s9 =	sor.u32 $0xD0000000, s2;
	s6 =	simm.s32 $0x108;
	_ =	swait.ge @!p0 [sflag:s8], $0x0  }
0x24: {  	s3 =	sadd.s32 $0x88, s3;
	s6 =	simm.s32 @!p1 $0x1082;
	[sflag:s4] =	ssyncset.s32 $0xFFFFF086  }
0x25: {  	[simem:s6], [sflag:s4] =	dma.local [hbm:s3], $0xF7A  }
0x26: {  	[smem:$0x3F98] =	sst s1;
	(tag) =	ssettag s2;
	_ =	strace s9  }
0x27: {  	s1 =	sld [smem:$0x3FA8]  }
0x28: {  	s2 =	sld [smem:$0x3FA9]  }
0x29: {  	s4 =	sld [smem:$0x3FAB]  }
0x2a: {  	p0 =	seq.s32 s5, $0x0;
	s5 =	sld [smem:$0x3FAC]  }
0x2b: {  	s6 =	sld [smem:$0x3FAD]  }
0x2c: {  	s7 =	sld [smem:$0x3FAE]  }
0x2d: {  	s3 =	simm.s32 $0x108;
	s8 =	sld [smem:$0x3FAF]  }
0x2e: {  	s3 =	simm.s32 @!p0 $0x1082;
	s9 =	sld [smem:$0x3FB0]  }
0x2f: {  	lr =	sadd.s32 s0, s3;
	s0 =	sld [smem:$0x3FA7]  }
0x30: {  	s3 =	sld [smem:$0x3FAA]  }
0x31: {  	[smem:$0x3FB3] =	sst s10  }
0x32: {  	s10 =	sld [smem:$0x3FB1];
	_ =	sdelay $0x3  }
0x33: {  	p0 =	seq.s32 s10, $0x1;
	s10 =	sld [smem:$0x3FB3];
	_ =	sdelay $0x3  }
0x34: {  	[smem:$0x3FB3] =	sst s10  }
0x35: {  	s10 =	sld [smem:$0x3FB2];
	_ =	sdelay $0x3  }
0x36: {  	p1 =	seq.s32 s10, $0x1;
	s10 =	sld [smem:$0x3FB3];
	_ =	sdelay $0x3  }
0x37: {  	[smem:$0x3FB3] =	sst s10  }
0x38: {  	s10 =	sld [smem:$0x3FB4]  }
0x39: {  	_ = 	snop;
	(pc) =	sbr.ind lr, $3  }
0x3a: {  	_ = 	snop  }
0x3b: {  	_ = 	snop  }
0x3c: {  	p2 =	seq.s32 s10, $0x1;
	s10 =	sld [smem:$0x3FB3]  }
0x3d: {  	_ =	shalt  }
0x3e: {  	_ =	shalt  }
0x3f: {  	_ =	shalt  }
0x40: {  	_ =	shalt  }
0x41: {  	_ =	shalt  }
0x42: {  	_ =	shalt  }
0x43: {  	_ =	shalt  }
0x44: {  	_ =	shalt  }
0x45: {  	_ =	shalt  }
0x46: {  	_ =	shalt  }
0x47: {  	_ =	shalt  }
0x48: {  	_ =	shalt  }
0x49: {  	_ =	shalt  }
0x4a: {  	_ =	shalt  }
0x4b: {  	_ =	shalt  }
0x4c: {  	_ =	shalt  }
0x4d: {  	_ =	shalt  }
0x4e: {  	_ =	shalt  }
0x4f: {  	_ =	shalt  }
0x50: {  	_ =	shalt  }
0x51: {  	_ =	shalt  }
0x52: {  	_ =	shalt  }
0x53: {  	_ =	shalt  }
0x54: {  	_ =	shalt  }
0x55: {  	_ =	shalt  }
0x56: {  	_ =	shalt  }
0x57: {  	_ =	shalt  }
0x58: {  	_ =	shalt  }
0x59: {  	_ =	shalt  }
0x5a: {  	_ =	shalt  }
0x5b: {  	_ =	shalt  }
0x5c: {  	_ =	shalt  }
0x5d: {  	_ =	shalt  }
0x5e: {  	_ =	shalt  }
0x5f: {  	_ =	shalt  }
0x60: {  	_ =	shalt  }
0x61: {  	_ =	shalt  }
0x62: {  	_ =	shalt  }
0x63: {  	_ =	shalt  }
0x64: {  	_ =	shalt  }
0x65: {  	_ =	shalt  }
0x66: {  	_ =	shalt  }
0x67: {  	_ =	shalt  }
0x68: {  	_ =	shalt  }
0x69: {  	_ =	shalt  }
0x6a: {  	_ =	shalt  }
0x6b: {  	_ =	shalt  }
0x6c: {  	_ =	shalt  }
0x6d: {  	_ =	shalt  }
0x6e: {  	_ =	shalt  }
0x6f: {  	_ =	shalt  }
0x70: {  	_ =	shalt  }
0x71: {  	_ =	shalt  }
0x72: {  	_ =	shalt  }
0x73: {  	_ =	shalt  }
0x74: {  	_ =	shalt  }
0x75: {  	_ =	shalt  }
0x76: {  	_ =	shalt  }
0x77: {  	_ =	shalt  }
0x78: {  	_ =	shalt  }
0x79: {  	_ =	shalt  }
0x7a: {  	_ =	shalt  }
0x7b: {  	_ =	shalt  }
0x7c: {  	_ =	shalt  }
0x7d: {  	_ =	shalt  }
0x7e: {  	_ =	shalt  }
0x7f: {  	_ =	shalt  }
0x80: {  	_ =	shalt  }
0x81: {  	_ =	shalt  }
0x82: {  	_ =	shalt  }
0x83: {  	_ =	shalt  }
0x84: {  	_ =	shalt  }
0x85: {  	_ =	shalt  }
0x86: {  	_ =	shalt  }
0x87: {  	_ =	shalt  }
.Lfunc_end0:
.L_simem_size_0:
called_computation_lowered:
.L_overlay_start_0:
0x88: {  	s2 =	sld [smem:$0x3FD9]  }
0x89: {  	s3 =	sld [smem:$0x3FFE];
	_ =	sdelay $0x1  }
0x8a: {  	s1 =	srdreg.scid  }
0x8b: {  	s0 =	sand.u32 $0x1, s1  }
0x8c: {  	s14 =	sshll.u32 s0, $0xA;
	s2 =	sadd.s32 s3, s2  }
0x8d: {  	s2 =	sadd.s32 s2, s14  }
0x8e: {  	[smem:$0x3FBF] =	sst s2  }
0x8f: {  	_ = 	snop  }
0x90: {  	s2 =	sld [smem:$0x3FD0];
	_ =	sdelay $0x2  }
0x91: {  	s15 =	simm.s32 $0xA;
	s4 =	simm.s32 $0x10  }
0x92: {  	[smem:s4], [sflag:s15] =	dma.local [hbm:s2], $0x1  }
0x93: {  	_ =	swait.eq [sflag:s15], $0x1  }
0x94: {  	[sflag:s15] =	ssyncset.done $0x0  }
0x95: {  	[sflag:s15] =	ssyncadd.s32 $0xFFFFFFFF  }
0x96: {  	s16 =	sld [smem:$0x10];
	(tm) =	ssettm $0x1  }
0x97: {  	s17 =	sld [smem:$0x3FFB];
	_ =	sdelay $0x3  }
0x98: {  	_ =	strace s17  }
0x99: {  	s3 =	sld [smem:$0x3FFC];
	_ =	sdelay $0x3  }
0x9a: {  	_ =	strace s3  }
0x9b: {  	s3 =	sld [smem:$0x3FFD];
	_ =	sdelay $0x3  }
0x9c: {  	_ =	strace s3  }
0x9d: {  	_ =	strace $0x8FFFFFFF  }
0x9e: {  	s18 =	sld [smem:$0x3FDB];
	_ =	sdelay $0x1  }
0x9f: {  	s19 =	simm.s32 $_scs_section_size  }
0xa0: {  	s5 =	simm.s32 $_size__tile_overlayer_lowered;
	s6 =	simm.s32 $_tile_overlayer_lowered  }
0xa1: {  	s22 =	simm.s32 $0x1BFF;
	s21 =	sshll.u32 s6, $0x1;
	s3 =	sadd.s32 s19, s18  }
0xa2: {  	s7 =	simm.s32 $0x0;
	s20 =	sshll.u32 s5, $0x1;
	s5 =	sadd.s32 s21, s3  }
0xa3: {  	[timem:s7], [sflag:s22] =	dma.local [hbm:s5], s20  }
0xa4: {  	_ =	swait.ge [sflag:s22], s20  }
0xa5: {  	s4 =	ssub.s32 $0x0, s20;
	[sflag:s22] =	ssyncset.done $0x0  }
0xa6: {  	[sflag:s22] =	ssyncadd.s32 s4;
	_ =	sdelay $0x1  }
0xa7: {  	s23 =	simm.s32 $0x1B8B  }
0xa8: {  	_ =	swait.ge [sflag:s23], $0x1  }
0xa9: {  	[sflag:s23] =	ssyncset.done $0x0  }
0xaa: {  	s25 =	simm.s32 $0x1B8E;
	s24 =	sld [smem:$0x3FFE];
	[sflag:s23] =	ssyncadd.s32 $0xFFFFFFFF  }
0xab: {  	s26 =	simm.s32 $execute0_lowered;
	[smem:$0x3FD2] =	sst s25  }
0xac: {  	s5 =	sshll.u32 s26, $0x1;
	_ =	strace $0x80000046;
	[dreg:$0x1] =	wrdreg $0xFFFFFFFF  }
0xad: {  	s28 =	simm.s32 $_size_execute0_lowered;
	s3 =	sadd.s32 s3, s5;
	[dreg:$0x0] =	wrdreg $0x0  }
0xae: {  	s5 =	sshll.u32 s28, $0x1;
	[dreg:$0x2] =	wrdreg s3  }
0xaf: {  	[dreg:$0x3] =	wrdreg s5  }
0xb0: {  	[dreg:$0x4] =	wrdreg $0xC0  }
0xb1: {  	_ =	task [dreg:s7], $0x5FFFF  }
0xb2: {  	[dreg:$0x1] =	wrdreg $0xFFFFFFFF  }
0xb3: {  	[dreg:$0x0] =	wrdreg $0x60  }
0xb4: {  	[dreg:$0x2] =	wrdreg s16  }
0xb5: {  	[dreg:$0x3] =	wrdreg s24  }
0xb6: {  	[dreg:$0x4] =	wrdreg $0xB8000  }
0xb7: {  	[dreg:$0x5] =	wrdreg $0x9  }
0xb8: {  	_ =	task.clear_ibuf [dreg:s7], $0x6FFFF;
	_ =	strace $0x90000046  }
0xb9: {  	s29 =	simm.s32 $0x9;
	_ =	strace $0x80000048  }
0xba: {  	_ =	swait.ge [sflag:s29], $0x1  }
0xbb: {  	[sflag:s29] =	ssyncadd.s32 $0xFFFFFFFF  }
0xbc: {  	_ =	strace $0x90000048  }
0xbd: {  	_ =	sfence  }
0xbe: {  	s30 =	sld [smem:$0x0];
	_ =	sdelay $0x2  }
0xbf: {  	s31 =	sshll.u32 s1, $0xD;
	s1 =	sshrl.u32 s1, $0x2  }
0xc0: {  	s3 =	sand.u32 $0x4000, s31;
	s1 =	sadd.s32 s1, s30  }
0xc1: {  	s0 =	sor.u32 s3, s0;
	s1 =	sshll.u32 s1, $0x11  }
0xc2: {  	s0 =	sor.u32 s1, s0  }
0xc3: {  	s0 =	sadd.s32 $0x8F2B, s0  }
0xc4: {  	[sflag:s0] =	ssyncadd.remote.s32 $0x1  }
0xc5: {  	_ =	sfence.sel $0xFFFF  }
0xc6: {  	[dreg:$0x0] =	wrdreg $0xFFFFFFFF;
	(pc) =	sbr.abs _section_cstart, $3  }
0xc7: {  	[dreg:$0x1] =	wrdreg $0xFFFFFFFF  }
0xc8: {  	_ =	task.clear_ibuf [dreg:s7], $0x2FFFF;
	_ =	strace $0x9FFFFFFF  }
0xc9: {  	(tm) =	ssettm $0x7FFFFFFF  }
tec
execute0_lowered:
.L_overlay_start_1:
0x0: {  	(tag) =	ssettag $0x1  }
0x1: {  	s1 =	rddreg [dreg:$0x0]  }
0x2: {  	s0 =	rddreg [dreg:$0x1]  }
0x3: {  	s3 =	rddreg [dreg:$0x2];
	s5 =	srdreg.scid;
	s4 =	simm.s32 $0x0  }
0x4: {  	s2 =	stileid.u32;
	s28 =	simm.s32 $0x8000;
	s29 =	simm.s32 $0x1  }
0x5: {  	s30 =	simm.s32 $0x0;
	s6 =	sand.u32 $0x1, s5;
	s9 =	smul.u32 $0x14000, s2  }
0x6: {  	[smem:$0x7FF] =	sst s4;
	s7 =	sshll.u32 s2, $0xB;
	s18 =	smul.u32 $0x5000, s2  }
0x7: {  	s5 =	sshll.u32 s6, $0xF;
	_ =	strace $0x80000047;
	s24 =	ssub.s32 $0x2, s6  }
0x8: {  	s19 =	smul.u32 $0x50000, s6;
	s5 =	sor.u32 s7, s5;
	s10 =	sshrl.u32 s24, $0x1  }
0x9: {  	s25 =	sshrl.u32 s9, $0x2;
	s15 =	sadd.s32 $0x1000, s18;
	s20 =	sadd.s32 $0x2000, s18  }
0xa: {  	s21 =	sadd.s32 $0x3000, s18;
	s23 =	sadd.s32 $0x4000, s18;
	s8 =	sadd.s32 s5, s0  }
0xb: {  	s5 =	sadd.s32 $0x22200, s0;
	s0 =	sadd.s32 $0x49400, s0;
	s10 =	ssub.s32 s24, s10  }
0xc: {  	s7 =	sadd.s32 s25, s3;
	s13 =	sadd.s32 s19, s18;
	s16 =	sadd.s32 s19, s15  }
0xd: {  	s15 =	sadd.s32 s15, s3;
	s17 =	sadd.s32 s20, s3;
	s20 =	sadd.s32 s19, s20  }
0xe: {  	s22 =	sadd.s32 s19, s21;
	s31 =	sadd.s32 s19, s23;
	s19 =	sadd.s32 s21, s3  }
0xf: {  	s21 =	sadd.s32 s23, s3;
	s23 =	simm.s32 $0x2;
	s25 =	simm.s32 $0xA800  }
0x10: {  	s6 =	sadd.s32 $0x2200, s8;
	s8 =	sadd.s32 $0x12200, s8;
	s9 =	smax.u32 s10, $0x1  }
0x11: {  	s10 =	sadd.s32 $0x1000, s7;
	s11 =	sadd.s32 $0x2000, s7;
	s12 =	sadd.s32 $0x3000, s7  }
0x12: {  	s14 =	sshrl.u32 s13, $0x3;
	s13 =	sadd.s32 $0x4000, s7;
	s16 =	sshrl.u32 s16, $0x3  }
0x13: {  	s20 =	sshrl.u32 s20, $0x3;
	s26 =	sshrl.u32 s22, $0x3;
	s22 =	sshrl.u32 s31, $0x3  }
0x14: {  	s14 =	sadd.s32 s0, s14;
	s16 =	sadd.s32 s0, s16;
	s18 =	sadd.s32 s0, s20  }
0x15: {  	s20 =	sadd.s32 s0, s26;
	s22 =	sadd.s32 s0, s22;
	s26 =	simm.s32 $0x50  }
.LBB2_1:
0x16: {  	[tilespmem:s4], [sflag:$0x2] =	stream.linear.gather [hbm4b:s6+s4], $0x3E80, $0x38;
	[tilespmem:$0x10800] =	vst v63  }
0x17: {  	_ =	swait.ge [sflag:s23], $0x3E80  }
0x18: {  	[sflag:s23] =	ssyncset.done $0x0  }
0x19: {  	s0 =	simm.s32 $0x4000;
	[sflag:s23] =	ssyncadd.s32 $0xFFFFC180  }
0x1a: {  	[tilespmem:s0], [sflag:$0x2] =	stream.linear.gather [hbm4b:s8+s4], $0x3E80, $0x38;
	[tilespmem:$0x10800] =	vst v63  }
0x1b: {  	_ =	swait.ge [sflag:s23], $0x3E80  }
0x1c: {  	[sflag:s23] =	ssyncset.done $0x0  }
0x1d: {  	[sflag:s23] =	ssyncadd.s32 $0xFFFFC180  }
0x1e: {  	[tilespmem:s25], [sflag:$0x2] =	stream.linear.gather [hbm4b:s5+s4], $0x1000, $0x38;
	[tilespmem:$0x10800] =	vst v63  }
0x1f: {  	_ =	swait.ge [sflag:s23], $0x1000  }
0x20: {  	[sflag:s23] =	ssyncset.done $0x0  }
0x21: {  	[sflag:s23] =	ssyncadd.s32 $0xFFFFF000  }
0x22: {  	[spmem:s7] =	stream.linear.scatter [tilespmem:s25], [sflag:$0x2], $0x1000, $0x38;
	[tilespmem:$0x10800] =	vst v63  }
0x23: {  	_ =	swait.ge [sflag:s23], $0x1000  }
0x24: {  	[sflag:s23] =	ssyncset.done $0x0  }
0x25: {  	[sflag:s23] =	ssyncadd.s32 $0xFFFFF000  }
0x26: {  	[spmem:s10] =	stream.linear.scatter [tilespmem:s25], [sflag:$0x2], $0x1000, $0x38;
	[tilespmem:$0x10800] =	vst v63  }
0x27: {  	_ =	swait.ge [sflag:s23], $0x1000  }
0x28: {  	[sflag:s23] =	ssyncset.done $0x0  }
0x29: {  	[sflag:s23] =	ssyncadd.s32 $0xFFFFF000  }
0x2a: {  	[spmem:s11] =	stream.linear.scatter [tilespmem:s25], [sflag:$0x2], $0x1000, $0x38;
	[tilespmem:$0x10800] =	vst v63  }
0x2b: {  	_ =	swait.ge [sflag:s23], $0x1000  }
0x2c: {  	[sflag:s23] =	ssyncset.done $0x0  }
0x2d: {  	[sflag:s23] =	ssyncadd.s32 $0xFFFFF000  }
0x2e: {  	[spmem:s12] =	stream.linear.scatter [tilespmem:s25], [sflag:$0x2], $0x1000, $0x38;
	[tilespmem:$0x10800] =	vst v63  }
0x2f: {  	_ =	swait.ge [sflag:s23], $0x1000  }
0x30: {  	[sflag:s23] =	ssyncset.done $0x0  }
0x31: {  	[sflag:s23] =	ssyncadd.s32 $0xFFFFF000  }
0x32: {  	[spmem:s13] =	stream.linear.scatter [tilespmem:s25], [sflag:$0x2], $0x1000, $0x38;
	[tilespmem:$0x10800] =	vst v63  }
0x33: {  	_ =	swait.ge [sflag:s23], $0x1000  }
0x34: {  	[sflag:s23] =	ssyncset.done $0x0  }
0x35: {  	[sflag:s23] =	ssyncadd.s32 $0xFFFFF000  }
0x36: {  	s2 =	simm.s32 $0x0;
	[bflag:$0x0] =	sbarrier.arrive $0xFFFF  }
0x37: {  	[tilespmem:s28], [sflag:$0x1] =	stream.indirect.gather [hbm4b:s1+s26], $0x80, s2, s26, $0xb8;
	[tilespmem:$0x10800] =	vst v63  }
0x38: {  	_ =	swait.ge [sflag:s29], $0x2800  }
0x39: {  	[sflag:s29] =	ssyncset.done $0x0  }
0x3a: {  	s24 =	simm.s32 $0x4000;
	[sflag:s29] =	ssyncadd.s32 $0xFFFFD800  }
0x3b: {  	[spmem:s3] =	stream.indirect.scatter.add.f32 [tilespmem:s28], [sflag:$0x2], $0x80, s24, s26, $0xb8;
	[tilespmem:$0x10800] =	vst v63  }
0x3c: {  	_ =	swait.ge [sflag:s23], $0x2800  }
0x3d: {  	s31 =	simm.s32 $0x200;
	s0 =	simm.s32 $0x400;
	[sflag:s23] =	ssyncset.done $0x0  }
.LBB2_2:
0x3e: {  	s2 =	sshra.s32 s31, $0x2  }
0x3f: {  	[sflag:s23] =	ssyncadd.s32 $0xFFFFD800;
	s31 =	smov.u32 s0;
	s24 =	sadd.s32 $0x200, s0  }
0x40: {  	[tilespmem:s28], [sflag:$0x1] =	stream.indirect.gather [hbm4b:s1+s26], $0x80, s2, s26, $0xb8;
	[tilespmem:$0x10800] =	vst v63  }
0x41: {  	p0 =	sne.s32 s0, $0xF800;
	_ =	swait.ge [sflag:s29], $0x2800  }
.Ltmp0:
0x42: {  	[sflag:s29] =	ssyncset.done $0x0;
	(pc) =	sbr.rel @p0 .LBB2_2-.Ltmp0, $4  }
0x43: {  	s0 =	sadd.s32 $0x4000, s2;
	[sflag:s29] =	ssyncadd.s32 $0xFFFFD800  }
0x44: {  	[spmem:s3] =	stream.indirect.scatter.add.f32 [tilespmem:s28], [sflag:$0x2], $0x80, s0, s26, $0xb8;
	[tilespmem:$0x10800] =	vst v63  }
0x45: {  	_ =	swait.ge [sflag:s23], $0x2800  }
0x46: {  	s0 =	smov.u32 s24;
	[sflag:s23] =	ssyncset.done $0x0  }
0x47: {  	s0 =	sshra.s32 s31, $0x2;
	[sflag:s23] =	ssyncadd.s32 $0xFFFFD800  }
0x48: {  	[tilespmem:s28], [sflag:$0x1] =	stream.indirect.gather [hbm4b:s1+s26], $0x80, s0, s26, $0xb8;
	[tilespmem:$0x10800] =	vst v63  }
0x49: {  	_ =	swait.ge [sflag:s29], $0x2800  }
0x4a: {  	[sflag:s29] =	ssyncset.done $0x0  }
0x4b: {  	s0 =	sadd.s32 $0x4000, s0;
	[sflag:s29] =	ssyncadd.s32 $0xFFFFD800  }
0x4c: {  	[spmem:s3] =	stream.indirect.scatter.add.f32 [tilespmem:s28], [sflag:$0x2], $0x80, s0, s26, $0xb8;
	[tilespmem:$0x10800] =	vst v63  }
0x4d: {  	_ =	swait.ge [sflag:s23], $0x2800  }
0x4e: {  	[sflag:s23] =	ssyncset.done $0x0  }
0x4f: {  	[sflag:s23] =	ssyncadd.s32 $0xFFFFD800  }
0x50: {  	[bflag:$0x0] =	sbarrier.arrive $0xFFFF  }
0x51: {  	[tilespmem:s25], [sflag:$0x2] =	stream.linear.gather [spmem:s7], $0x1000, $0x38;
	[tilespmem:$0x10800] =	vst v63  }
0x52: {  	_ =	swait.ge [sflag:s23], $0x1000  }
0x53: {  	[sflag:s23] =	ssyncset.done $0x0  }
0x54: {  	[sflag:s23] =	ssyncadd.s32 $0xFFFFF000  }
0x55: {  	[hbm4b:s14+s4] =	stream.linear.scatter [tilespmem:s25], [sflag:$0x2], $0x1000, $0x38;
	[tilespmem:$0x10800] =	vst v63  }
0x56: {  	_ =	swait.ge [sflag:s23], $0x1000  }
0x57: {  	[sflag:s23] =	ssyncset.done $0x0  }
0x58: {  	[sflag:s23] =	ssyncadd.s32 $0xFFFFF000  }
0x59: {  	[tilespmem:s25], [sflag:$0x2] =	stream.linear.gather [spmem:s15], $0x1000, $0x38;
	[tilespmem:$0x10800] =	vst v63  }
0x5a: {  	_ =	swait.ge [sflag:s23], $0x1000  }
0x5b: {  	[sflag:s23] =	ssyncset.done $0x0  }
0x5c: {  	[sflag:s23] =	ssyncadd.s32 $0xFFFFF000  }
0x5d: {  	[hbm4b:s16+s4] =	stream.linear.scatter [tilespmem:s25], [sflag:$0x2], $0x1000, $0x38;
	[tilespmem:$0x10800] =	vst v63  }
0x5e: {  	_ =	swait.ge [sflag:s23], $0x1000  }
0x5f: {  	[sflag:s23] =	ssyncset.done $0x0  }
0x60: {  	[sflag:s23] =	ssyncadd.s32 $0xFFFFF000  }
0x61: {  	[tilespmem:s25], [sflag:$0x2] =	stream.linear.gather [spmem:s17], $0x1000, $0x38;
	[tilespmem:$0x10800] =	vst v63  }
0x62: {  	_ =	swait.ge [sflag:s23], $0x1000  }
0x63: {  	[sflag:s23] =	ssyncset.done $0x0  }
0x64: {  	[sflag:s23] =	ssyncadd.s32 $0xFFFFF000  }
0x65: {  	[hbm4b:s18+s4] =	stream.linear.scatter [tilespmem:s25], [sflag:$0x2], $0x1000, $0x38;
	[tilespmem:$0x10800] =	vst v63  }
0x66: {  	_ =	swait.ge [sflag:s23], $0x1000  }
0x67: {  	[sflag:s23] =	ssyncset.done $0x0  }
0x68: {  	[sflag:s23] =	ssyncadd.s32 $0xFFFFF000  }
0x69: {  	[tilespmem:s25], [sflag:$0x2] =	stream.linear.gather [spmem:s19], $0x1000, $0x38;
	[tilespmem:$0x10800] =	vst v63  }
0x6a: {  	_ =	swait.ge [sflag:s23], $0x1000  }
0x6b: {  	[sflag:s23] =	ssyncset.done $0x0  }
0x6c: {  	[sflag:s23] =	ssyncadd.s32 $0xFFFFF000  }
0x6d: {  	[hbm4b:s20+s4] =	stream.linear.scatter [tilespmem:s25], [sflag:$0x2], $0x1000, $0x38;
	[tilespmem:$0x10800] =	vst v63  }
0x6e: {  	_ =	swait.ge [sflag:s23], $0x1000  }
0x6f: {  	[sflag:s23] =	ssyncset.done $0x0  }
0x70: {  	[sflag:s23] =	ssyncadd.s32 $0xFFFFF000  }
0x71: {  	[tilespmem:s25], [sflag:$0x2] =	stream.linear.gather [spmem:s21], $0x1000, $0x38;
	[tilespmem:$0x10800] =	vst v63  }
0x72: {  	s30 =	sadd.s32 $0x1, s30;
	_ =	swait.ge [sflag:s23], $0x1000  }
0x73: {  	p0 =	sne.s32 s30, s9;
	[sflag:s23] =	ssyncset.done $0x0  }
.Ltmp1:
0x74: {  	[sflag:s23] =	ssyncadd.s32 $0xFFFFF000;
	(pc) =	sbr.rel @p0 .LBB2_1-.Ltmp1, $4  }
0x75: {  	[hbm4b:s22+s4] =	stream.linear.scatter [tilespmem:s25], [sflag:$0x2], $0x1000, $0x38;
	[tilespmem:$0x10800] =	vst v63  }
0x76: {  	_ =	swait.ge [sflag:s23], $0x1000  }
0x77: {  	[sflag:s23] =	ssyncset.done $0x0  }
0x78: {  	[sflag:s23] =	ssyncadd.s32 $0xFFFFF000  }
0x79: {  	_ =	sfence.sel $0x180000  }
0x7a: {  	[bflag:$0x0] =	sbarrier.arrive $0xFFFF  }
0x7b: {  	_ =	strace $0x90000047  }
0x7c: {  	s0 =	stileid.u32;
	[bflag:$0x2] =	sbarrier.arrive $0xFFFF  }
0x7d: {  	p0 =	sne.s32 s0, $0x0;
	s0 =	rddreg [dreg:$0x3]  }
0x7e: {  	s0 =	sadd.s32 @!p0 $0x100000, s0  }
0x7f: {  	[sflag:s0] =	ssyncadd.tile.s32 @!p0 $0x1;
	_ =	shalt  }
.Lfunc_end2:
_tile_overlayer_lowered:
.L_overlay_start_2:
0x80: {  	(tag) =	ssettag $0x2  }
0x81: {  	s0 =	rddreg [dreg:$0x0];
	s2 =	stileid.u32  }
0x82: {  	s1 =	rddreg [dreg:$0x1];
	p0 =	sne.s32 s2, $0x0  }
0x83: {  	s3 =	rddreg [dreg:$0x2];
	[bflag:$0x3] =	sbarrier.arrive $0xFFFF;
	s2 =	simm.s32 @!p0 $0x1C02  }
0x84: {  	[timem:s3], [sflag:s2] =	dma.local @!p0 [hbm:s0], s1  }
0x85: {  	s0 =	simm.s32 @!p0 $0x2  }
0x86: {  	_ =	swait.ge @!p0 [sflag:s0], s1  }
0x87: {  	s1 =	ssub.s32 @!p0 $0x0, s1;
	[sflag:s0] =	ssyncset.done @!p0 $0x0  }
0x88: {  	[sflag:s0] =	ssyncadd.s32 @!p0 s1  }
0x89: {  	[bflag:$0x3] =	sbarrier.arrive $0xFFFF  }
0x8a: {  	_ =	shalt  }

</sc_bundles>
